<compile_context>
chip_gen: v7x
topology: tpu7x:2x2x1
jax: 0.10.2.dev20260603
libtpu: 0.0.44.dev20260713+nightly
codegen_flags: <defaults>
</compile_context>

<pallas_src>
import functools

import jax
import jax.numpy as jnp
from jax import lax
from jax.experimental import pallas as pl
from jax.experimental.pallas import tpu as pltpu
from jax.experimental.pallas import tpu_sc as plsc

_THRESH = 0.6


def _nms_chunk_kernel(nb, c,
                      x1r, y1r, x2r, y2r, ar,
                      sup0, supr):
    supr[...] = sup0[...]

    row_i = lax.broadcasted_iota(jnp.int32, (c, c), 0)
    col_i = lax.broadcasted_iota(jnp.int32, (c, c), 1)
    tri = (col_i > row_i)

    def to_col(v):
        return jnp.transpose(v, (1, 0))

    def iou_ge(cx1, cy1, cx2, cy2, ca, rx1, ry1, rx2, ry2, ra):
        xx1 = jnp.maximum(cx1, rx1)
        yy1 = jnp.maximum(cy1, ry1)
        xx2 = jnp.minimum(cx2, rx2)
        yy2 = jnp.minimum(cy2, ry2)
        w = jnp.maximum(0.0, xx2 - xx1 + 1.0)
        h = jnp.maximum(0.0, yy2 - yy1 + 1.0)
        inter = w * h
        union = ca + ra - inter
        return (inter / union) >= _THRESH

    def chunk_step(ci, _):
        rx1 = x1r[ci]
        ry1 = y1r[ci]
        rx2 = x2r[ci]
        ry2 = y2r[ci]
        ra = ar[ci]

        cx1 = to_col(rx1)
        cy1 = to_col(ry1)
        cx2 = to_col(rx2)
        cy2 = to_col(ry2)
        ca = to_col(ra)

        hit = iou_ge(cx1, cy1, cx2, cy2, ca, rx1, ry1, rx2, ry2, ra)
        m = jnp.where(hit & tri, 1.0, 0.0)

        s0 = supr[ci]

        def fix_cond(carry):
            _, changed = carry
            return changed

        def fix_body(carry):
            s, _ = carry
            active = 1.0 - s
            t = lax.dot_general(active, m, (((1,), (0,)), ((), ())),
                                preferred_element_type=jnp.float32)
            s_new = jnp.maximum(s0, jnp.where(t > 0.0, 1.0, 0.0))
            return s_new, jnp.any(s_new != s)

        s_fin, _ = lax.while_loop(fix_cond, fix_body, (s0, True))
        supr[ci] = s_fin
        keep_row = 1.0 - s_fin

        def build(cj):
            ox1 = x1r[cj]
            oy1 = y1r[cj]
            ox2 = x2r[cj]
            oy2 = y2r[cj]
            oa = ar[cj]
            return jnp.where(
                iou_ge(cx1, cy1, cx2, cy2, ca, ox1, oy1, ox2, oy2, oa),
                1.0, 0.0)

        def suppress(d):
            t = lax.dot_general(keep_row, d, (((1,), (0,)), ((), ())),
                                preferred_element_type=jnp.float32)
            return jnp.where(t > 0.0, 1.0, 0.0)

        def cross(cj, _):
            t = suppress(build(cj))
            supr[cj] = jnp.maximum(supr[cj], t)
            return 0

        lax.fori_loop(ci + 1, nb, cross, 0, unroll=False)
        return 0

    lax.fori_loop(0, nb, chunk_step, 0, unroll=False)


def _run_nms_sorted(x1s, y1s, x2s, y2s, areas_s, chunk):
    n = x1s.shape[0]
    c = chunk
    nb = -(-n // c)
    npad = nb * c
    pad = npad - n

    def prep(v):
        return jnp.pad(v, (0, pad)).reshape(nb, 1, c)

    x1r = prep(x1s)
    y1r = prep(y1s)
    x2r = prep(x2s)
    y2r = prep(y2s)
    arr = prep(areas_s)
    sup0 = jnp.pad(jnp.zeros((n,), jnp.float32), (0, pad),
                   constant_values=1.0).reshape(nb, 1, c)

    sup = pl.pallas_call(
        functools.partial(_nms_chunk_kernel, nb, c),
        out_shape=jax.ShapeDtypeStruct((nb, 1, c), jnp.float32),
    )(x1r, y1r, x2r, y2r, arr, sup0)
    return sup.reshape(npad)[:n]


def _make_sc_tail(n):
    assert n % 16 == 0
    nchunk = n // 16
    mesh = plsc.VectorSubcoreMesh(core_axis_name="c", subcore_axis_name="s")

    def body(keep_s_hbm, order_hbm, keep_o_hbm, idx_hbm, cnt_hbm,
             ks_v, ord_v, ko_v, idx_v, cnt_v, sem):
        wid = lax.axis_index("s") * 2 + lax.axis_index("c")

        @pl.when(wid == 0)
        def _():
            pltpu.sync_copy(keep_s_hbm, ks_v)
            pltpu.sync_copy(order_hbm, ord_v)
            iota16 = lax.iota(jnp.int32, 16)
            z16 = jnp.zeros((16,), jnp.int32)

            def zero_step(i, carry):
                idx_v[pl.ds(i * 16, 16)] = z16
                return carry

            lax.fori_loop(0, nchunk, zero_step, 0)

            def scat_step(i, carry):
                k16 = ks_v[pl.ds(i * 16, 16)]
                o16 = ord_v[pl.ds(i * 16, 16)]
                plsc.store_scatter(ko_v, [o16], k16)
                return carry

            lax.fori_loop(0, nchunk, scat_step, 0)

            def comp_step(i, off):
                k16 = ko_v[pl.ds(i * 16, 16)]
                m = k16 != 0.0
                m32 = m.astype(jnp.int32)
                cum = plsc.cumsum(m32)
                pos = off + cum - 1
                ids = i * 16 + iota16
                plsc.store_scatter(idx_v, [pos], ids, mask=m)
                return off + jnp.sum(m32)

            total = lax.fori_loop(0, nchunk, comp_step, 0)
            cnt_v[...] = z16 + total
            pltpu.sync_copy(ko_v, keep_o_hbm)
            pltpu.sync_copy(idx_v, idx_hbm)
            pltpu.sync_copy(cnt_v, cnt_hbm)

    return pl.kernel(
        body,
        out_type=[jax.ShapeDtypeStruct((n,), jnp.float32),
                  jax.ShapeDtypeStruct((n,), jnp.int32),
                  jax.ShapeDtypeStruct((16,), jnp.int32)],
        mesh=mesh,
        compiler_params=pltpu.CompilerParams(needs_layout_passes=False),
        scratch_types=[pltpu.VMEM((n,), jnp.float32),
                       pltpu.VMEM((n,), jnp.int32),
                       pltpu.VMEM((n,), jnp.float32),
                       pltpu.VMEM((n,), jnp.int32),
                       pltpu.VMEM((16,), jnp.int32),
                       pltpu.SemaphoreType.DMA],
    )


def kernel(boxes, scores):
    n = boxes.shape[0]
    x1 = boxes[:, 0]
    y1 = boxes[:, 1]
    x2 = boxes[:, 2]
    y2 = boxes[:, 3]
    areas = (x2 - x1 + 1.0) * (y2 - y1 + 1.0)
    order = jnp.argsort(-scores)

    x1s = x1[order]
    y1s = y1[order]
    x2s = x2[order]
    y2s = y2[order]
    areas_s = areas[order]

    sup = _run_nms_sorted(x1s, y1s, x2s, y2s, areas_s, chunk=1024)

    keep_sorted = 1.0 - sup
    keep_f, nms_keep_idx, cnt = _make_sc_tail(n)(
        keep_sorted, order.astype(jnp.int32))
    labels = jnp.zeros((n, 1), dtype=boxes.dtype)
    bbox_pred = jnp.concatenate([labels, scores[:, None], boxes],
                                axis=1) * keep_f[:, None]
    bbox_num = cnt[:1]
    return bbox_pred, bbox_num, nms_keep_idx

# --- scband reference (transcript-rebuilt; emitter-appended) ---
"""Pipeline reference for scband-jdebbox-post-process-58377195487337 (READ-ONLY COPY).

The authoritative reference and input builder live on the scoring server;
editing this copy changes nothing except your own understanding.
"""

import jax, jax.numpy as jnp
import numpy as np

N = 20000
THRESH = 0.6

def _make_boxes(key, n):
    k1, k2, k3, k4 = jax.random.split(key, 4)
    x1 = jax.random.uniform(k1, (n,)) * 1000.0
    y1 = jax.random.uniform(k2, (n,)) * 1000.0
    w = jax.random.uniform(k3, (n,)) * 150.0 + 1.0
    h = jax.random.uniform(k4, (n,)) * 150.0 + 1.0
    return jnp.stack([x1, y1, x1 + w, y1 + h], axis=1)

def setup_inputs(seed: int = 0):
    key = jax.random.key(seed)
    kb, ks = jax.random.split(key)
    boxes = _make_boxes(kb, N)
    scores = jax.random.uniform(ks, (N,))
    return {"boxes": boxes, "scores": scores}

def _nms_keep(boxes, scores, thresh):
    # Faithful JAX port of the numpy greedy NMS in JDEBBoxPostProcess (iou metric,
    # +1 pixel offsets), vectorized over the inner j-loop, streaming over the outer
    # i-loop so no O(N^2) IoU matrix is materialized (memory-bound gather/compare ops).
    x1 = boxes[:, 0]; y1 = boxes[:, 1]; x2 = boxes[:, 2]; y2 = boxes[:, 3]
    areas = (x2 - x1 + 1.0) * (y2 - y1 + 1.0)
    order = jnp.argsort(-scores)
    x1s = x1[order]; y1s = y1[order]; x2s = x2[order]; y2s = y2[order]
    areas_s = areas[order]
    n = boxes.shape[0]
    idx = jnp.arange(n)
    def body(i, suppressed):
        xx1 = jnp.maximum(x1s[i], x1s)
        yy1 = jnp.maximum(y1s[i], y1s)
        xx2 = jnp.minimum(x2s[i], x2s)
        yy2 = jnp.minimum(y2s[i], y2s)
        w = jnp.maximum(0.0, xx2 - xx1 + 1.0)
        h = jnp.maximum(0.0, yy2 - yy1 + 1.0)
        inter = w * h
        union = areas_s[i] + areas_s - inter
        match_value = inter / union
        new_sup = (match_value >= thresh) & (idx > i)
        return jnp.where(suppressed[i], suppressed, suppressed | new_sup)
    suppressed = jax.lax.fori_loop(0, n, body, jnp.zeros((n,), dtype=bool))
    # map keep decision back to original box order
    keep = jnp.zeros((n,), dtype=bool).at[order].set(~suppressed)
    return keep

def reference(boxes, scores):
    # Decode stage of JDEBBoxPostProcess is an injected module; here boxes/scores are
    # the decoded yolo_boxes_out / yolo_scores_out for a single image, num_classes=1.
    keep = _nms_keep(boxes, scores, THRESH)
    keep_f = keep.astype(boxes.dtype)
    labels = jnp.zeros((boxes.shape[0], 1), dtype=boxes.dtype)
    # bbox_pred: [N, 6] = [label, score, x1, y1, x2, y2], suppressed rows zeroed
    bbox_pred = jnp.concatenate([labels, scores[:, None], boxes], axis=1) * keep_f[:, None]
    bbox_num = jnp.sum(keep).astype(jnp.int32)[None]
    nms_keep_idx = jnp.nonzero(keep, size=boxes.shape[0], fill_value=0)[0]
    return bbox_pred, bbox_num, nms_keep_idx

if __name__ == "__main__":
    import jax
    _d = setup_inputs()
    print(jax.jit(kernel)(*tuple(_d.values())))

</pallas_src>

<mosaic_0001>
#map = affine_map<(d0, d1) -> (0)>
module attributes {stable_mosaic.version = 14 : i64} {
  func.func @body(%arg0: i32, %arg1: i32, %arg2: memref<20000xf32, #tpu.memory_space<hbm>>, %arg3: memref<20000xi32, #tpu.memory_space<hbm>>, %arg4: memref<20000xf32, #tpu.memory_space<hbm>>, %arg5: memref<20000xi32, #tpu.memory_space<hbm>>, %arg6: memref<16xi32, #tpu.memory_space<hbm>>, %arg7: memref<20000xf32, #tpu.memory_space<vmem>>, %arg8: memref<20000xi32, #tpu.memory_space<vmem>>, %arg9: memref<20000xf32, #tpu.memory_space<vmem>>, %arg10: memref<20000xi32, #tpu.memory_space<vmem>>, %arg11: memref<16xi32, #tpu.memory_space<vmem>>, %arg12: memref<!tpu.dma_semaphore, #tpu.memory_space<semaphore_mem>>) attributes {dimension_semantics = [#tpu.dimension_semantics<core_parallel>, #tpu.dimension_semantics<subcore_parallel>], iteration_bounds = array<i64: 2, 16>, scalar_prefetch = 0 : i64, scratch_operands = 6 : i64, tpu.core_type = #tpu.core_type<sc_vector_subcore>, window_params = [{transform_indices = #map}, {transform_indices = #map}, {transform_indices = #map}, {transform_indices = #map}, {transform_indices = #map}]} {
    %mul3A = arith.constant 2 : i32
    %mul3A_0 = arith.muli %arg1, %mul3A : i32
    %add3A = arith.addi %mul3A_0, %arg0 : i32
    %eq3A = arith.constant 0 : i32
    %eq3A_1 = arith.cmpi eq, %add3A, %eq3A : i32
    %convert_element_type3A = arith.extui %eq3A_1 : i1 to i32
    %cond3A = arith.constant 0 : i32
    %cond3A_2 = arith.cmpi ne, %convert_element_type3A, %cond3A : i32
    scf.if %cond3A_2 {
      "tpu.region"() ({
        %run_scoped3A = tpu.sem_alloc : memref<!tpu.dma_semaphore, #tpu.memory_space<semaphore_mem>>
        tpu.enqueue_dma source(%arg2 : memref<20000xf32, #tpu.memory_space<hbm>>) target(%arg7 : memref<20000xf32, #tpu.memory_space<vmem>>) target_semaphore(%run_scoped3A : memref<!tpu.dma_semaphore, #tpu.memory_space<semaphore_mem>>)
        tpu.wait_dma2 semaphore(%run_scoped3A : memref<!tpu.dma_semaphore, #tpu.memory_space<semaphore_mem>>) src(%arg2 : memref<20000xf32, #tpu.memory_space<hbm>>) dst(%arg7 : memref<20000xf32, #tpu.memory_space<vmem>>)
        tpu.yield
      }) : () -> ()
      "tpu.region"() ({
        %run_scoped3A = tpu.sem_alloc : memref<!tpu.dma_semaphore, #tpu.memory_space<semaphore_mem>>
        tpu.enqueue_dma source(%arg3 : memref<20000xi32, #tpu.memory_space<hbm>>) target(%arg8 : memref<20000xi32, #tpu.memory_space<vmem>>) target_semaphore(%run_scoped3A : memref<!tpu.dma_semaphore, #tpu.memory_space<semaphore_mem>>)
        tpu.wait_dma2 semaphore(%run_scoped3A : memref<!tpu.dma_semaphore, #tpu.memory_space<semaphore_mem>>) src(%arg3 : memref<20000xi32, #tpu.memory_space<hbm>>) dst(%arg8 : memref<20000xi32, #tpu.memory_space<vmem>>)
        tpu.yield
      }) : () -> ()
      %iota3A = tpu.iota {dimensions = array<i32: 0>} : vector<16xi32>
      %broadcast_in_dim3A = arith.constant 0 : i32
      %broadcast_in_dim3A_3 = vector.broadcast %broadcast_in_dim3A : i32 to vector<16xi32>
      %scan3A = arith.constant 0 : i32
      %scan3A_4 = arith.constant 0 : i32
      %scan3A_5 = arith.constant 1250 : i32
      %scan3A_6 = arith.addi %scan3A_4, %scan3A_5 : i32
      %scan3A_7 = arith.constant 1 : i32
      scf.for %scan3A_25 = %scan3A_4 to %scan3A_6 step %scan3A_7  : i32 {
        %mul3A_26 = arith.constant 16 : i32
        %mul3A_27 = arith.muli %scan3A_25, %mul3A_26 : i32
        %swap3A_28 = arith.index_cast %mul3A_27 : i32 to index
        %swap3A_29 = tpu.vector_load %arg10[%swap3A_28] {strides = array<i32>} : memref<20000xi32, #tpu.memory_space<vmem>>, vector<16xi32>,
        tpu.vector_store %arg10[%swap3A_28], %broadcast_in_dim3A_3 {strides = array<i32>} : memref<20000xi32, #tpu.memory_space<vmem>>, vector<16xi32>,
      }
      %scan3A_8 = arith.constant 1250 : i32
      %scan3A_9 = arith.constant 0 : i32
      %scan3A_10 = arith.constant 0 : i32
      %scan3A_11 = arith.constant 1250 : i32
      %scan3A_12 = arith.addi %scan3A_10, %scan3A_11 : i32
      %scan3A_13 = arith.constant 1 : i32
      scf.for %scan3A_25 = %scan3A_10 to %scan3A_12 step %scan3A_13  : i32 {
        %mul3A_26 = arith.constant 16 : i32
        %mul3A_27 = arith.muli %scan3A_25, %mul3A_26 : i32
        %get3A = arith.index_cast %mul3A_27 : i32 to index
        %get3A_28 = tpu.vector_load %arg7[%get3A] {strides = array<i32>} : memref<20000xf32, #tpu.memory_space<vmem>>, vector<16xf32>,
        %mul3A_29 = arith.constant 16 : i32
        %mul3A_30 = arith.muli %scan3A_25, %mul3A_29 : i32
        %get3A_31 = arith.index_cast %mul3A_30 : i32 to index
        %get3A_32 = tpu.vector_load %arg8[%get3A_31] {strides = array<i32>} : memref<20000xi32, #tpu.memory_space<vmem>>, vector<16xi32>,
        tpu.vector_store_idx %arg9[%get3A_32], %get3A_28 : memref<20000xf32, #tpu.memory_space<vmem>>[vector<16xi32>], vector<16xf32>,
      }
      %scan3A_14 = arith.constant 1250 : i32
      %scan3A_15 = arith.constant 0 : i32
      %scan3A_16 = arith.constant 0 : i32
      %scan3A_17 = arith.constant 1250 : i32
      %scan3A_18 = arith.addi %scan3A_16, %scan3A_17 : i32
      %scan3A_19 = arith.constant 1 : i32
      %scan3A_20 = scf.for %scan3A_25 = %scan3A_16 to %scan3A_18 step %scan3A_19 iter_args(%scan3A_26 = %scan3A_15) -> (i32)  : i32 {
        %mul3A_27 = arith.constant 16 : i32
        %mul3A_28 = arith.muli %scan3A_25, %mul3A_27 : i32
        %get3A = arith.index_cast %mul3A_28 : i32 to index
        %get3A_29 = tpu.vector_load %arg9[%get3A] {strides = array<i32>} : memref<20000xf32, #tpu.memory_space<vmem>>, vector<16xf32>,
        %ne3A = arith.constant 0.000000e+00 : f32
        %ne3A_30 = vector.broadcast %ne3A : f32 to vector<16xf32>
        %ne3A_31 = arith.cmpf one, %get3A_29, %ne3A_30 : vector<16xf32>
        %convert_element_type3A_32 = arith.extui %ne3A_31 : vector<16xi1> to vector<16xi32>
        %broadcast_in_dim3A_33 = arith.constant true
        %broadcast_in_dim3A_34 = vector.broadcast %broadcast_in_dim3A_33 : i1 to vector<16xi1>
        %masked_cumsum3A = tpu.scan <sum>, %convert_element_type3A_32 masked %broadcast_in_dim3A_34 : vector<16xi32>, vector<16xi1> -> vector<16xi32>
        %add3A_35 = vector.broadcast %scan3A_26 : i32 to vector<16xi32>
        %add3A_36 = arith.addi %add3A_35, %masked_cumsum3A : vector<16xi32>
        %sub3A = arith.constant 1 : i32
        %sub3A_37 = vector.broadcast %sub3A : i32 to vector<16xi32>
        %sub3A_38 = arith.subi %add3A_36, %sub3A_37 : vector<16xi32>
        %mul3A_39 = arith.constant 16 : i32
        %mul3A_40 = arith.muli %scan3A_25, %mul3A_39 : i32
        %add3A_41 = vector.broadcast %mul3A_40 : i32 to vector<16xi32>
        %add3A_42 = arith.addi %add3A_41, %iota3A : vector<16xi32>
        tpu.vector_store_idx %arg10[%sub3A_38], %add3A_42 masked %ne3A_31 : memref<20000xi32, #tpu.memory_space<vmem>>[vector<16xi32>], vector<16xi32>, vector<16xi1>
        %reduce_sum3A = arith.constant true
        %reduce_sum3A_43 = vector.broadcast %reduce_sum3A : i1 to vector<16xi1>
        %reduce_sum3A_44 = tpu.scan <sum>, %convert_element_type3A_32 masked %reduce_sum3A_43 : vector<16xi32>, vector<16xi1> -> vector<16xi32>
        %reduce_sum3A_45 = vector.extract %reduce_sum3A_44[15] : i32 from vector<16xi32>
        %add3A_46 = arith.addi %scan3A_26, %reduce_sum3A_45 : i32
        scf.yield %add3A_46 : i32
      }
      %scan3A_21 = arith.constant 1250 : i32
      %add3A_22 = vector.broadcast %scan3A_20 : i32 to vector<16xi32>
      %add3A_23 = arith.addi %broadcast_in_dim3A_3, %add3A_22 : vector<16xi32>
      %swap3A = arith.constant 0 : index
      %swap3A_24 = tpu.vector_load %arg11[%swap3A] {strides = array<i32>} : memref<16xi32, #tpu.memory_space<vmem>>, vector<16xi32>,
      tpu.vector_store %arg11[%swap3A], %add3A_23 {strides = array<i32>} : memref<16xi32, #tpu.memory_space<vmem>>, vector<16xi32>,
      "tpu.region"() ({
        %run_scoped3A = tpu.sem_alloc : memref<!tpu.dma_semaphore, #tpu.memory_space<semaphore_mem>>
        tpu.enqueue_dma source(%arg9 : memref<20000xf32, #tpu.memory_space<vmem>>) target(%arg4 : memref<20000xf32, #tpu.memory_space<hbm>>) target_semaphore(%run_scoped3A : memref<!tpu.dma_semaphore, #tpu.memory_space<semaphore_mem>>)
        tpu.wait_dma2 semaphore(%run_scoped3A : memref<!tpu.dma_semaphore, #tpu.memory_space<semaphore_mem>>) src(%arg9 : memref<20000xf32, #tpu.memory_space<vmem>>) dst(%arg4 : memref<20000xf32, #tpu.memory_space<hbm>>)
        tpu.yield
      }) : () -> ()
      "tpu.region"() ({
        %run_scoped3A = tpu.sem_alloc : memref<!tpu.dma_semaphore, #tpu.memory_space<semaphore_mem>>
        tpu.enqueue_dma source(%arg10 : memref<20000xi32, #tpu.memory_space<vmem>>) target(%arg5 : memref<20000xi32, #tpu.memory_space<hbm>>) target_semaphore(%run_scoped3A : memref<!tpu.dma_semaphore, #tpu.memory_space<semaphore_mem>>)
        tpu.wait_dma2 semaphore(%run_scoped3A : memref<!tpu.dma_semaphore, #tpu.memory_space<semaphore_mem>>) src(%arg10 : memref<20000xi32, #tpu.memory_space<vmem>>) dst(%arg5 : memref<20000xi32, #tpu.memory_space<hbm>>)
        tpu.yield
      }) : () -> ()
      "tpu.region"() ({
        %run_scoped3A = tpu.sem_alloc : memref<!tpu.dma_semaphore, #tpu.memory_space<semaphore_mem>>
        tpu.enqueue_dma source(%arg11 : memref<16xi32, #tpu.memory_space<vmem>>) target(%arg6 : memref<16xi32, #tpu.memory_space<hbm>>) target_semaphore(%run_scoped3A : memref<!tpu.dma_semaphore, #tpu.memory_space<semaphore_mem>>)
        tpu.wait_dma2 semaphore(%run_scoped3A : memref<!tpu.dma_semaphore, #tpu.memory_space<semaphore_mem>>) src(%arg11 : memref<16xi32, #tpu.memory_space<vmem>>) dst(%arg6 : memref<16xi32, #tpu.memory_space<hbm>>)
        tpu.yield
      }) : () -> ()
    } else {
    }
    return
  }
}

module attributes {stable_mosaic.version = 14 : i64} {
  func.func @_nms_chunk_kernel(%arg0: memref<20x1x1024xf32, #tpu.memory_space<vmem>>, %arg1: memref<20x1x1024xf32, #tpu.memory_space<vmem>>, %arg2: memref<20x1x1024xf32, #tpu.memory_space<vmem>>, %arg3: memref<20x1x1024xf32, #tpu.memory_space<vmem>>, %arg4: memref<20x1x1024xf32, #tpu.memory_space<vmem>>, %arg5: memref<20x1x1024xf32, #tpu.memory_space<vmem>>, %arg6: memref<20x1x1024xf32, #tpu.memory_space<vmem>>) attributes {dimension_semantics = [], scalar_prefetch = 0 : i64, scratch_operands = 0 : i64, tpu.core_type = #tpu.core_type<tc>} {
    %get3A = arith.constant 0 : index
    %get3A_0 = arith.constant 0 : index
    %get3A_1 = arith.constant 0 : index
    %get3A_2 = vector.load %arg5[%get3A, %get3A_0, %get3A_1] : memref<20x1x1024xf32, #tpu.memory_space<vmem>>, vector<20x1x1024xf32>
    %swap3A = arith.constant 0 : index
    %swap3A_3 = arith.constant 0 : index
    %swap3A_4 = arith.constant 0 : index
    %swap3A_5 = vector.load %arg6[%swap3A, %swap3A_3, %swap3A_4] : memref<20x1x1024xf32, #tpu.memory_space<vmem>>, vector<20x1x1024xf32>
    tpu.vector_store %arg6[%swap3A, %swap3A_3, %swap3A_4], %get3A_2 {strides = array<i32>} : memref<20x1x1024xf32, #tpu.memory_space<vmem>>, vector<20x1x1024xf32>,
    %iota3A = tpu.iota {dimensions = array<i32: 0>} : vector<1024x1024xi32>
    %iota3A_6 = tpu.iota {dimensions = array<i32: 1>} : vector<1024x1024xi32>
    %gt3A = arith.cmpi sgt, %iota3A_6, %iota3A : vector<1024x1024xi32>
    %scan3A = arith.constant 0 : i32
    %scan3A_7 = arith.constant 20 : i32
    %scan3A_8 = arith.addi %scan3A, %scan3A_7 : i32
    %scan3A_9 = arith.constant 1 : i32
    scf.for %scan3A_11 = %scan3A to %scan3A_8 step %scan3A_9  : i32 {
      %get3A_12 = arith.index_cast %scan3A_11 : i32 to index
      %get3A_13 = arith.constant 0 : index
      %get3A_14 = arith.constant 0 : index
      %get3A_15 = vector.load %arg0[%get3A_12, %get3A_13, %get3A_14] : memref<20x1x1024xf32, #tpu.memory_space<vmem>>, vector<1x1x1024xf32>
      %get3A_16 = vector.shape_cast %get3A_15 : vector<1x1x1024xf32> to vector<1x1024xf32>
      %get3A_17 = arith.index_cast %scan3A_11 : i32 to index
      %get3A_18 = arith.constant 0 : index
      %get3A_19 = arith.constant 0 : index
      %get3A_20 = vector.load %arg1[%get3A_17, %get3A_18, %get3A_19] : memref<20x1x1024xf32, #tpu.memory_space<vmem>>, vector<1x1x1024xf32>
      %get3A_21 = vector.shape_cast %get3A_20 : vector<1x1x1024xf32> to vector<1x1024xf32>
      %get3A_22 = arith.index_cast %scan3A_11 : i32 to index
      %get3A_23 = arith.constant 0 : index
      %get3A_24 = arith.constant 0 : index
      %get3A_25 = vector.load %arg2[%get3A_22, %get3A_23, %get3A_24] : memref<20x1x1024xf32, #tpu.memory_space<vmem>>, vector<1x1x1024xf32>
      %get3A_26 = vector.shape_cast %get3A_25 : vector<1x1x1024xf32> to vector<1x1024xf32>
      %get3A_27 = arith.index_cast %scan3A_11 : i32 to index
      %get3A_28 = arith.constant 0 : index
      %get3A_29 = arith.constant 0 : index
      %get3A_30 = vector.load %arg3[%get3A_27, %get3A_28, %get3A_29] : memref<20x1x1024xf32, #tpu.memory_space<vmem>>, vector<1x1x1024xf32>
      %get3A_31 = vector.shape_cast %get3A_30 : vector<1x1x1024xf32> to vector<1x1024xf32>
      %get3A_32 = arith.index_cast %scan3A_11 : i32 to index
      %get3A_33 = arith.constant 0 : index
      %get3A_34 = arith.constant 0 : index
      %get3A_35 = vector.load %arg4[%get3A_32, %get3A_33, %get3A_34] : memref<20x1x1024xf32, #tpu.memory_space<vmem>>, vector<1x1x1024xf32>
      %get3A_36 = vector.shape_cast %get3A_35 : vector<1x1x1024xf32> to vector<1x1024xf32>
      %transpose3A = tpu.transpose %get3A_16, [1, 0] : vector<1x1024xf32> -> vector<1024x1xf32>
      %transpose3A_37 = tpu.transpose %get3A_21, [1, 0] : vector<1x1024xf32> -> vector<1024x1xf32>
      %transpose3A_38 = tpu.transpose %get3A_26, [1, 0] : vector<1x1024xf32> -> vector<1024x1xf32>
      %transpose3A_39 = tpu.transpose %get3A_31, [1, 0] : vector<1x1024xf32> -> vector<1024x1xf32>
      %transpose3A_40 = tpu.transpose %get3A_36, [1, 0] : vector<1x1024xf32> -> vector<1024x1xf32>
      %max3A = vector.broadcast %transpose3A : vector<1024x1xf32> to vector<1024x1024xf32>
      %max3A_41 = vector.broadcast %get3A_16 : vector<1x1024xf32> to vector<1024x1024xf32>
      %max3A_42 = arith.maximumf %max3A, %max3A_41 : vector<1024x1024xf32>
      %max3A_43 = vector.broadcast %transpose3A_37 : vector<1024x1xf32> to vector<1024x1024xf32>
      %max3A_44 = vector.broadcast %get3A_21 : vector<1x1024xf32> to vector<1024x1024xf32>
      %max3A_45 = arith.maximumf %max3A_43, %max3A_44 : vector<1024x1024xf32>
      %min3A = vector.broadcast %transpose3A_38 : vector<1024x1xf32> to vector<1024x1024xf32>
      %min3A_46 = vector.broadcast %get3A_26 : vector<1x1024xf32> to vector<1024x1024xf32>
      %min3A_47 = arith.minimumf %min3A, %min3A_46 : vector<1024x1024xf32>
      %min3A_48 = vector.broadcast %transpose3A_39 : vector<1024x1xf32> to vector<1024x1024xf32>
      %min3A_49 = vector.broadcast %get3A_31 : vector<1x1024xf32> to vector<1024x1024xf32>
      %min3A_50 = arith.minimumf %min3A_48, %min3A_49 : vector<1024x1024xf32>
      %sub3A = arith.subf %min3A_47, %max3A_42 : vector<1024x1024xf32>
      %add3A = arith.constant 1.000000e+00 : f32
      %add3A_51 = vector.broadcast %add3A : f32 to vector<1024x1024xf32>
      %add3A_52 = arith.addf %sub3A, %add3A_51 : vector<1024x1024xf32>
      %max3A_53 = arith.constant 0.000000e+00 : f32
      %max3A_54 = vector.broadcast %max3A_53 : f32 to vector<1024x1024xf32>
      %max3A_55 = arith.maximumf %max3A_54, %add3A_52 : vector<1024x1024xf32>
      %sub3A_56 = arith.subf %min3A_50, %max3A_45 : vector<1024x1024xf32>
      %add3A_57 = arith.constant 1.000000e+00 : f32
      %add3A_58 = vector.broadcast %add3A_57 : f32 to vector<1024x1024xf32>
      %add3A_59 = arith.addf %sub3A_56, %add3A_58 : vector<1024x1024xf32>
      %max3A_60 = arith.constant 0.000000e+00 : f32
      %max3A_61 = vector.broadcast %max3A_60 : f32 to vector<1024x1024xf32>
      %max3A_62 = arith.maximumf %max3A_61, %add3A_59 : vector<1024x1024xf32>
      %mul3A = arith.mulf %max3A_55, %max3A_62 : vector<1024x1024xf32>
      %add3A_63 = vector.broadcast %transpose3A_40 : vector<1024x1xf32> to vector<1024x1024xf32>
      %add3A_64 = vector.broadcast %get3A_36 : vector<1x1024xf32> to vector<1024x1024xf32>
      %add3A_65 = arith.addf %add3A_63, %add3A_64 : vector<1024x1024xf32>
      %sub3A_66 = arith.subf %add3A_65, %mul3A : vector<1024x1024xf32>
      %div3A = arith.divf %mul3A, %sub3A_66 : vector<1024x1024xf32>
      %ge3A = arith.constant 6.000000e-01 : f32
      %ge3A_67 = vector.broadcast %ge3A : f32 to vector<1024x1024xf32>
      %ge3A_68 = arith.cmpf oge, %div3A, %ge3A_67 : vector<1024x1024xf32>
      %and3A = arith.andi %ge3A_68, %gt3A : vector<1024x1024xi1>
      %jit3A = arith.constant 1.000000e+00 : f32
      %jit3A_69 = arith.constant 0.000000e+00 : f32
      %broadcast_in_dim3A = vector.broadcast %jit3A : f32 to vector<1024x1024xf32>
      %broadcast_in_dim3A_70 = vector.broadcast %jit3A_69 : f32 to vector<1024x1024xf32>
      %select_n3A = arith.select %and3A, %broadcast_in_dim3A, %broadcast_in_dim3A_70 : vector<1024x1024xi1>, vector<1024x1024xf32>
      %get3A_71 = arith.index_cast %scan3A_11 : i32 to index
      %get3A_72 = arith.constant 0 : index
      %get3A_73 = arith.constant 0 : index
      %get3A_74 = vector.load %arg6[%get3A_71, %get3A_72, %get3A_73] : memref<20x1x1024xf32, #tpu.memory_space<vmem>>, vector<1x1x1024xf32>
      %get3A_75 = vector.shape_cast %get3A_74 : vector<1x1x1024xf32> to vector<1x1024xf32>
      %while3A = arith.constant true
      %while3A_76:2 = scf.while (%while3A_100 = %get3A_75, %while3A_101 = %while3A) : (vector<1x1024xf32>, i1) -> (vector<1x1024xf32>, i1) {
        scf.condition(%while3A_101) %while3A_100, %while3A_101 : vector<1x1024xf32>, i1
      } do {
      ^bb0(%while3A_100: vector<1x1024xf32>, %while3A_101: i1):
        %sub3A_102 = arith.constant 1.000000e+00 : f32
        %sub3A_103 = vector.broadcast %sub3A_102 : f32 to vector<1x1024xf32>
        %sub3A_104 = arith.subf %sub3A_103, %while3A_100 : vector<1x1024xf32>
        %dot_general3A = arith.constant dense<0.000000e+00> : vector<1x1024xf32>
        %dot_general3A_105 = tpu.matmul %sub3A_104, %select_n3A, %dot_general3A {dimension_numbers = #tpu.dot_dimension_numbers<[1], [0], [0], [1], [0, 0, 1, 1], [], []>, transpose_lhs_hint = false} : vector<1x1024xf32>, vector<1024x1024xf32>, vector<1x1024xf32> -> vector<1x1024xf32>
        %gt3A_106 = arith.constant 0.000000e+00 : f32
        %gt3A_107 = vector.broadcast %gt3A_106 : f32 to vector<1x1024xf32>
        %gt3A_108 = arith.cmpf ogt, %dot_general3A_105, %gt3A_107 : vector<1x1024xf32>
        %jit3A_109 = arith.constant 1.000000e+00 : f32
        %jit3A_110 = arith.constant 0.000000e+00 : f32
        %broadcast_in_dim3A_111 = vector.broadcast %jit3A_109 : f32 to vector<1x1024xf32>
        %broadcast_in_dim3A_112 = vector.broadcast %jit3A_110 : f32 to vector<1x1024xf32>
        %select_n3A_113 = arith.select %gt3A_108, %broadcast_in_dim3A_111, %broadcast_in_dim3A_112 : vector<1x1024xi1>, vector<1x1024xf32>
        %max3A_114 = arith.maximumf %get3A_75, %select_n3A_113 : vector<1x1024xf32>
        %ne3A = arith.cmpf one, %max3A_114, %while3A_100 : vector<1x1024xf32>
        %reduce_or3A = arith.constant 1.000000e+00 : f32
        %reduce_or3A_115 = arith.constant 0.000000e+00 : f32
        %reduce_or3A_116 = vector.broadcast %reduce_or3A : f32 to vector<1x1024xf32>
        %reduce_or3A_117 = vector.broadcast %reduce_or3A_115 : f32 to vector<1x1024xf32>
        %reduce_or3A_118 = arith.select %ne3A, %reduce_or3A_116, %reduce_or3A_117 : vector<1x1024xi1>, vector<1x1024xf32>
        %reduce_or3A_119 = vector.shape_cast %reduce_or3A_118 : vector<1x1024xf32> to vector<1x1x1024xf32>
        %reduce_or3A_120 = arith.constant dense<0xFF800000> : vector<1xf32>
        %reduce_or3A_121 = vector.multi_reduction <maximumf>, %reduce_or3A_119, %reduce_or3A_120 [1, 2] : vector<1x1x1024xf32> to vector<1xf32>
        %reduce_or3A_122 = vector.shape_cast %reduce_or3A_121 : vector<1xf32> to vector<1x1x1xf32>
        %reduce_or3A_123 = vector.extract %reduce_or3A_122[0, 0, 0] : f32 from vector<1x1x1xf32>
        %reduce_or3A_124 = arith.constant 0.000000e+00 : f32
        %reduce_or3A_125 = arith.cmpf ogt, %reduce_or3A_123, %reduce_or3A_124 : f32
        scf.yield %max3A_114, %reduce_or3A_125 : vector<1x1024xf32>, i1
      }
      %swap3A_77 = arith.index_cast %scan3A_11 : i32 to index
      %swap3A_78 = arith.constant 0 : index
      %swap3A_79 = arith.constant 0 : index
      %swap3A_80 = vector.load %arg6[%swap3A_77, %swap3A_78, %swap3A_79] : memref<20x1x1024xf32, #tpu.memory_space<vmem>>, vector<1x1x1024xf32>
      %swap3A_81 = vector.shape_cast %swap3A_80 : vector<1x1x1024xf32> to vector<1x1024xf32>
      %swap3A_82 = vector.shape_cast %while3A_76#0 : vector<1x1024xf32> to vector<1x1x1024xf32>
      tpu.vector_store %arg6[%swap3A_77, %swap3A_78, %swap3A_79], %swap3A_82 {strides = array<i32>} : memref<20x1x1024xf32, #tpu.memory_space<vmem>>, vector<1x1x1024xf32>,
      %sub3A_83 = arith.constant 1.000000e+00 : f32
      %sub3A_84 = vector.broadcast %sub3A_83 : f32 to vector<1x1024xf32>
      %sub3A_85 = arith.subf %sub3A_84, %while3A_76#0 : vector<1x1024xf32>
      %add3A_86 = arith.constant 1 : i32
      %add3A_87 = arith.addi %scan3A_11, %add3A_86 : i32
      %while3A_88 = arith.constant 20 : i32
      %while3A_89 = arith.constant 0 : i32
      %while3A_90 = arith.subi %while3A_88, %add3A_87 : i32
      %while3A_91 = arith.addi %add3A_87, %while3A_90 : i32
      %while3A_92 = arith.constant 1 : i32
      %while3A_93 = arith.divsi %while3A_90, %while3A_92 : i32
      %while3A_94 = arith.muli %while3A_93, %while3A_92 : i32
      %while3A_95 = arith.addi %add3A_87, %while3A_94 : i32
      %while3A_96 = arith.constant 1 : i32
      %while3A_97 = scf.for %while3A_100 = %add3A_87 to %while3A_95 step %while3A_96 iter_args(%while3A_101 = %while3A_89) -> (i32)  : i32 {
        %get3A_102 = arith.index_cast %while3A_100 : i32 to index
        %get3A_103 = arith.constant 0 : index
        %get3A_104 = arith.constant 0 : index
        %get3A_105 = vector.load %arg0[%get3A_102, %get3A_103, %get3A_104] : memref<20x1x1024xf32, #tpu.memory_space<vmem>>, vector<1x1x1024xf32>
        %get3A_106 = vector.shape_cast %get3A_105 : vector<1x1x1024xf32> to vector<1x1024xf32>
        %get3A_107 = arith.index_cast %while3A_100 : i32 to index
        %get3A_108 = arith.constant 0 : index
        %get3A_109 = arith.constant 0 : index
        %get3A_110 = vector.load %arg1[%get3A_107, %get3A_108, %get3A_109] : memref<20x1x1024xf32, #tpu.memory_space<vmem>>, vector<1x1x1024xf32>
        %get3A_111 = vector.shape_cast %get3A_110 : vector<1x1x1024xf32> to vector<1x1024xf32>
        %get3A_112 = arith.index_cast %while3A_100 : i32 to index
        %get3A_113 = arith.constant 0 : index
        %get3A_114 = arith.constant 0 : index
        %get3A_115 = vector.load %arg2[%get3A_112, %get3A_113, %get3A_114] : memref<20x1x1024xf32, #tpu.memory_space<vmem>>, vector<1x1x1024xf32>
        %get3A_116 = vector.shape_cast %get3A_115 : vector<1x1x1024xf32> to vector<1x1024xf32>
        %get3A_117 = arith.index_cast %while3A_100 : i32 to index
        %get3A_118 = arith.constant 0 : index
        %get3A_119 = arith.constant 0 : index
        %get3A_120 = vector.load %arg3[%get3A_117, %get3A_118, %get3A_119] : memref<20x1x1024xf32, #tpu.memory_space<vmem>>, vector<1x1x1024xf32>
        %get3A_121 = vector.shape_cast %get3A_120 : vector<1x1x1024xf32> to vector<1x1024xf32>
        %get3A_122 = arith.index_cast %while3A_100 : i32 to index
        %get3A_123 = arith.constant 0 : index
        %get3A_124 = arith.constant 0 : index
        %get3A_125 = vector.load %arg4[%get3A_122, %get3A_123, %get3A_124] : memref<20x1x1024xf32, #tpu.memory_space<vmem>>, vector<1x1x1024xf32>
        %get3A_126 = vector.shape_cast %get3A_125 : vector<1x1x1024xf32> to vector<1x1024xf32>
        %max3A_127 = vector.broadcast %transpose3A : vector<1024x1xf32> to vector<1024x1024xf32>
        %max3A_128 = vector.broadcast %get3A_106 : vector<1x1024xf32> to vector<1024x1024xf32>
        %max3A_129 = arith.maximumf %max3A_127, %max3A_128 : vector<1024x1024xf32>
        %max3A_130 = vector.broadcast %transpose3A_37 : vector<1024x1xf32> to vector<1024x1024xf32>
        %max3A_131 = vector.broadcast %get3A_111 : vector<1x1024xf32> to vector<1024x1024xf32>
        %max3A_132 = arith.maximumf %max3A_130, %max3A_131 : vector<1024x1024xf32>
        %min3A_133 = vector.broadcast %transpose3A_38 : vector<1024x1xf32> to vector<1024x1024xf32>
        %min3A_134 = vector.broadcast %get3A_116 : vector<1x1024xf32> to vector<1024x1024xf32>
        %min3A_135 = arith.minimumf %min3A_133, %min3A_134 : vector<1024x1024xf32>
        %min3A_136 = vector.broadcast %transpose3A_39 : vector<1024x1xf32> to vector<1024x1024xf32>
        %min3A_137 = vector.broadcast %get3A_121 : vector<1x1024xf32> to vector<1024x1024xf32>
        %min3A_138 = arith.minimumf %min3A_136, %min3A_137 : vector<1024x1024xf32>
        %sub3A_139 = arith.subf %min3A_135, %max3A_129 : vector<1024x1024xf32>
        %add3A_140 = arith.constant 1.000000e+00 : f32
        %add3A_141 = vector.broadcast %add3A_140 : f32 to vector<1024x1024xf32>
        %add3A_142 = arith.addf %sub3A_139, %add3A_141 : vector<1024x1024xf32>
        %max3A_143 = arith.constant 0.000000e+00 : f32
        %max3A_144 = vector.broadcast %max3A_143 : f32 to vector<1024x1024xf32>
        %max3A_145 = arith.maximumf %max3A_144, %add3A_142 : vector<1024x1024xf32>
        %sub3A_146 = arith.subf %min3A_138, %max3A_132 : vector<1024x1024xf32>
        %add3A_147 = arith.constant 1.000000e+00 : f32
        %add3A_148 = vector.broadcast %add3A_147 : f32 to vector<1024x1024xf32>
        %add3A_149 = arith.addf %sub3A_146, %add3A_148 : vector<1024x1024xf32>
        %max3A_150 = arith.constant 0.000000e+00 : f32
        %max3A_151 = vector.broadcast %max3A_150 : f32 to vector<1024x1024xf32>
        %max3A_152 = arith.maximumf %max3A_151, %add3A_149 : vector<1024x1024xf32>
        %mul3A_153 = arith.mulf %max3A_145, %max3A_152 : vector<1024x1024xf32>
        %add3A_154 = vector.broadcast %transpose3A_40 : vector<1024x1xf32> to vector<1024x1024xf32>
        %add3A_155 = vector.broadcast %get3A_126 : vector<1x1024xf32> to vector<1024x1024xf32>
        %add3A_156 = arith.addf %add3A_154, %add3A_155 : vector<1024x1024xf32>
        %sub3A_157 = arith.subf %add3A_156, %mul3A_153 : vector<1024x1024xf32>
        %div3A_158 = arith.divf %mul3A_153, %sub3A_157 : vector<1024x1024xf32>
        %ge3A_159 = arith.constant 6.000000e-01 : f32
        %ge3A_160 = vector.broadcast %ge3A_159 : f32 to vector<1024x1024xf32>
        %ge3A_161 = arith.cmpf oge, %div3A_158, %ge3A_160 : vector<1024x1024xf32>
        %jit3A_162 = arith.constant 1.000000e+00 : f32
        %jit3A_163 = arith.constant 0.000000e+00 : f32
        %broadcast_in_dim3A_164 = vector.broadcast %jit3A_162 : f32 to vector<1024x1024xf32>
        %broadcast_in_dim3A_165 = vector.broadcast %jit3A_163 : f32 to vector<1024x1024xf32>
        %select_n3A_166 = arith.select %ge3A_161, %broadcast_in_dim3A_164, %broadcast_in_dim3A_165 : vector<1024x1024xi1>, vector<1024x1024xf32>
        %dot_general3A = arith.constant dense<0.000000e+00> : vector<1x1024xf32>
        %dot_general3A_167 = tpu.matmul %sub3A_85, %select_n3A_166, %dot_general3A {dimension_numbers = #tpu.dot_dimension_numbers<[1], [0], [0], [1], [0, 0, 1, 1], [], []>, transpose_lhs_hint = false} : vector<1x1024xf32>, vector<1024x1024xf32>, vector<1x1024xf32> -> vector<1x1024xf32>
        %gt3A_168 = arith.constant 0.000000e+00 : f32
        %gt3A_169 = vector.broadcast %gt3A_168 : f32 to vector<1x1024xf32>
        %gt3A_170 = arith.cmpf ogt, %dot_general3A_167, %gt3A_169 : vector<1x1024xf32>
        %jit3A_171 = arith.constant 1.000000e+00 : f32
        %jit3A_172 = arith.constant 0.000000e+00 : f32
        %broadcast_in_dim3A_173 = vector.broadcast %jit3A_171 : f32 to vector<1x1024xf32>
        %broadcast_in_dim3A_174 = vector.broadcast %jit3A_172 : f32 to vector<1x1024xf32>
        %select_n3A_175 = arith.select %gt3A_170, %broadcast_in_dim3A_173, %broadcast_in_dim3A_174 : vector<1x1024xi1>, vector<1x1024xf32>
        %get3A_176 = arith.index_cast %while3A_100 : i32 to index
        %get3A_177 = arith.constant 0 : index
        %get3A_178 = arith.constant 0 : index
        %get3A_179 = vector.load %arg6[%get3A_176, %get3A_177, %get3A_178] : memref<20x1x1024xf32, #tpu.memory_space<vmem>>, vector<1x1x1024xf32>
        %get3A_180 = vector.shape_cast %get3A_179 : vector<1x1x1024xf32> to vector<1x1024xf32>
        %max3A_181 = arith.maximumf %get3A_180, %select_n3A_175 : vector<1x1024xf32>
        %swap3A_182 = arith.index_cast %while3A_100 : i32 to index
        %swap3A_183 = arith.constant 0 : index
        %swap3A_184 = arith.constant 0 : index
        %swap3A_185 = vector.load %arg6[%swap3A_182, %swap3A_183, %swap3A_184] : memref<20x1x1024xf32, #tpu.memory_space<vmem>>, vector<1x1x1024xf32>
        %swap3A_186 = vector.shape_cast %swap3A_185 : vector<1x1x1024xf32> to vector<1x1024xf32>
        %swap3A_187 = vector.shape_cast %max3A_181 : vector<1x1024xf32> to vector<1x1x1024xf32>
        tpu.vector_store %arg6[%swap3A_182, %swap3A_183, %swap3A_184], %swap3A_187 {strides = array<i32>} : memref<20x1x1024xf32, #tpu.memory_space<vmem>>, vector<1x1x1024xf32>,
        %while3A_188 = arith.constant 0 : i32
        scf.yield %while3A_188 : i32
      }
      %while3A_98 = arith.constant 1 : i32
      %while3A_99 = scf.for %while3A_100 = %while3A_95 to %while3A_91 step %while3A_98 iter_args(%while3A_101 = %while3A_97) -> (i32)  : i32 {
        %get3A_102 = arith.index_cast %while3A_100 : i32 to index
        %get3A_103 = arith.constant 0 : index
        %get3A_104 = arith.constant 0 : index
        %get3A_105 = vector.load %arg0[%get3A_102, %get3A_103, %get3A_104] : memref<20x1x1024xf32, #tpu.memory_space<vmem>>, vector<1x1x1024xf32>
        %get3A_106 = vector.shape_cast %get3A_105 : vector<1x1x1024xf32> to vector<1x1024xf32>
        %get3A_107 = arith.index_cast %while3A_100 : i32 to index
        %get3A_108 = arith.constant 0 : index
        %get3A_109 = arith.constant 0 : index
        %get3A_110 = vector.load %arg1[%get3A_107, %get3A_108, %get3A_109] : memref<20x1x1024xf32, #tpu.memory_space<vmem>>, vector<1x1x1024xf32>
        %get3A_111 = vector.shape_cast %get3A_110 : vector<1x1x1024xf32> to vector<1x1024xf32>
        %get3A_112 = arith.index_cast %while3A_100 : i32 to index
        %get3A_113 = arith.constant 0 : index
        %get3A_114 = arith.constant 0 : index
        %get3A_115 = vector.load %arg2[%get3A_112, %get3A_113, %get3A_114] : memref<20x1x1024xf32, #tpu.memory_space<vmem>>, vector<1x1x1024xf32>
        %get3A_116 = vector.shape_cast %get3A_115 : vector<1x1x1024xf32> to vector<1x1024xf32>
        %get3A_117 = arith.index_cast %while3A_100 : i32 to index
        %get3A_118 = arith.constant 0 : index
        %get3A_119 = arith.constant 0 : index
        %get3A_120 = vector.load %arg3[%get3A_117, %get3A_118, %get3A_119] : memref<20x1x1024xf32, #tpu.memory_space<vmem>>, vector<1x1x1024xf32>
        %get3A_121 = vector.shape_cast %get3A_120 : vector<1x1x1024xf32> to vector<1x1024xf32>
        %get3A_122 = arith.index_cast %while3A_100 : i32 to index
        %get3A_123 = arith.constant 0 : index
        %get3A_124 = arith.constant 0 : index
        %get3A_125 = vector.load %arg4[%get3A_122, %get3A_123, %get3A_124] : memref<20x1x1024xf32, #tpu.memory_space<vmem>>, vector<1x1x1024xf32>
        %get3A_126 = vector.shape_cast %get3A_125 : vector<1x1x1024xf32> to vector<1x1024xf32>
        %max3A_127 = vector.broadcast %transpose3A : vector<1024x1xf32> to vector<1024x1024xf32>
        %max3A_128 = vector.broadcast %get3A_106 : vector<1x1024xf32> to vector<1024x1024xf32>
        %max3A_129 = arith.maximumf %max3A_127, %max3A_128 : vector<1024x1024xf32>
        %max3A_130 = vector.broadcast %transpose3A_37 : vector<1024x1xf32> to vector<1024x1024xf32>
        %max3A_131 = vector.broadcast %get3A_111 : vector<1x1024xf32> to vector<1024x1024xf32>
        %max3A_132 = arith.maximumf %max3A_130, %max3A_131 : vector<1024x1024xf32>
        %min3A_133 = vector.broadcast %transpose3A_38 : vector<1024x1xf32> to vector<1024x1024xf32>
        %min3A_134 = vector.broadcast %get3A_116 : vector<1x1024xf32> to vector<1024x1024xf32>
        %min3A_135 = arith.minimumf %min3A_133, %min3A_134 : vector<1024x1024xf32>
        %min3A_136 = vector.broadcast %transpose3A_39 : vector<1024x1xf32> to vector<1024x1024xf32>
        %min3A_137 = vector.broadcast %get3A_121 : vector<1x1024xf32> to vector<1024x1024xf32>
        %min3A_138 = arith.minimumf %min3A_136, %min3A_137 : vector<1024x1024xf32>
        %sub3A_139 = arith.subf %min3A_135, %max3A_129 : vector<1024x1024xf32>
        %add3A_140 = arith.constant 1.000000e+00 : f32
        %add3A_141 = vector.broadcast %add3A_140 : f32 to vector<1024x1024xf32>
        %add3A_142 = arith.addf %sub3A_139, %add3A_141 : vector<1024x1024xf32>
        %max3A_143 = arith.constant 0.000000e+00 : f32
        %max3A_144 = vector.broadcast %max3A_143 : f32 to vector<1024x1024xf32>
        %max3A_145 = arith.maximumf %max3A_144, %add3A_142 : vector<1024x1024xf32>
        %sub3A_146 = arith.subf %min3A_138, %max3A_132 : vector<1024x1024xf32>
        %add3A_147 = arith.constant 1.000000e+00 : f32
        %add3A_148 = vector.broadcast %add3A_147 : f32 to vector<1024x1024xf32>
        %add3A_149 = arith.addf %sub3A_146, %add3A_148 : vector<1024x1024xf32>
        %max3A_150 = arith.constant 0.000000e+00 : f32
        %max3A_151 = vector.broadcast %max3A_150 : f32 to vector<1024x1024xf32>
        %max3A_152 = arith.maximumf %max3A_151, %add3A_149 : vector<1024x1024xf32>
        %mul3A_153 = arith.mulf %max3A_145, %max3A_152 : vector<1024x1024xf32>
        %add3A_154 = vector.broadcast %transpose3A_40 : vector<1024x1xf32> to vector<1024x1024xf32>
        %add3A_155 = vector.broadcast %get3A_126 : vector<1x1024xf32> to vector<1024x1024xf32>
        %add3A_156 = arith.addf %add3A_154, %add3A_155 : vector<1024x1024xf32>
        %sub3A_157 = arith.subf %add3A_156, %mul3A_153 : vector<1024x1024xf32>
        %div3A_158 = arith.divf %mul3A_153, %sub3A_157 : vector<1024x1024xf32>
        %ge3A_159 = arith.constant 6.000000e-01 : f32
        %ge3A_160 = vector.broadcast %ge3A_159 : f32 to vector<1024x1024xf32>
        %ge3A_161 = arith.cmpf oge, %div3A_158, %ge3A_160 : vector<1024x1024xf32>
        %jit3A_162 = arith.constant 1.000000e+00 : f32
        %jit3A_163 = arith.constant 0.000000e+00 : f32
        %broadcast_in_dim3A_164 = vector.broadcast %jit3A_162 : f32 to vector<1024x1024xf32>
        %broadcast_in_dim3A_165 = vector.broadcast %jit3A_163 : f32 to vector<1024x1024xf32>
        %select_n3A_166 = arith.select %ge3A_161, %broadcast_in_dim3A_164, %broadcast_in_dim3A_165 : vector<1024x1024xi1>, vector<1024x1024xf32>
        %dot_general3A = arith.constant dense<0.000000e+00> : vector<1x1024xf32>
        %dot_general3A_167 = tpu.matmul %sub3A_85, %select_n3A_166, %dot_general3A {dimension_numbers = #tpu.dot_dimension_numbers<[1], [0], [0], [1], [0, 0, 1, 1], [], []>, transpose_lhs_hint = false} : vector<1x1024xf32>, vector<1024x1024xf32>, vector<1x1024xf32> -> vector<1x1024xf32>
        %gt3A_168 = arith.constant 0.000000e+00 : f32
        %gt3A_169 = vector.broadcast %gt3A_168 : f32 to vector<1x1024xf32>
        %gt3A_170 = arith.cmpf ogt, %dot_general3A_167, %gt3A_169 : vector<1x1024xf32>
        %jit3A_171 = arith.constant 1.000000e+00 : f32
        %jit3A_172 = arith.constant 0.000000e+00 : f32
        %broadcast_in_dim3A_173 = vector.broadcast %jit3A_171 : f32 to vector<1x1024xf32>
        %broadcast_in_dim3A_174 = vector.broadcast %jit3A_172 : f32 to vector<1x1024xf32>
        %select_n3A_175 = arith.select %gt3A_170, %broadcast_in_dim3A_173, %broadcast_in_dim3A_174 : vector<1x1024xi1>, vector<1x1024xf32>
        %get3A_176 = arith.index_cast %while3A_100 : i32 to index
        %get3A_177 = arith.constant 0 : index
        %get3A_178 = arith.constant 0 : index
        %get3A_179 = vector.load %arg6[%get3A_176, %get3A_177, %get3A_178] : memref<20x1x1024xf32, #tpu.memory_space<vmem>>, vector<1x1x1024xf32>
        %get3A_180 = vector.shape_cast %get3A_179 : vector<1x1x1024xf32> to vector<1x1024xf32>
        %max3A_181 = arith.maximumf %get3A_180, %select_n3A_175 : vector<1x1024xf32>
        %swap3A_182 = arith.index_cast %while3A_100 : i32 to index
        %swap3A_183 = arith.constant 0 : index
        %swap3A_184 = arith.constant 0 : index
        %swap3A_185 = vector.load %arg6[%swap3A_182, %swap3A_183, %swap3A_184] : memref<20x1x1024xf32, #tpu.memory_space<vmem>>, vector<1x1x1024xf32>
        %swap3A_186 = vector.shape_cast %swap3A_185 : vector<1x1x1024xf32> to vector<1x1024xf32>
        %swap3A_187 = vector.shape_cast %max3A_181 : vector<1x1024xf32> to vector<1x1x1024xf32>
        tpu.vector_store %arg6[%swap3A_182, %swap3A_183, %swap3A_184], %swap3A_187 {strides = array<i32>} : memref<20x1x1024xf32, #tpu.memory_space<vmem>>, vector<1x1x1024xf32>,
        %while3A_188 = arith.constant 0 : i32
        scf.yield %while3A_188 : i32
      }
    }
    %scan3A_10 = arith.constant 20 : i32
    return
  }
}

</mosaic_0001>

<sc_bundles>
// kernel: gather_offload_async_start.1
scs
__scs_entry_jumppad:
0x0: {  	(pc) =	sbr.rel $0x88, $3  }
0x1: {  	(tag) =	ssettag $0x0;
	lr =	simm.s32 $0x1  }
0x2: {  	[smem:$0x3F9F] =	sst lr;
	_ =	strace $0xD0000000  }
0x3: {  	_ = 	snop  }
0x4: {  	_ = 	snop  }
0x5: {  	_ = 	snop  }
0x6: {  	_ = 	snop  }
0x7: {  	_ = 	snop  }
__scs_overlays_trampoline_lowered:
0x8: {  	[smem:$0x3FAE] =	sst s0  }
0x9: {  	[smem:$0x3FAF] =	sst s1  }
0xa: {  	[smem:$0x3FB0] =	sst s2  }
0xb: {  	[smem:$0x3FB1] =	sst s3  }
0xc: {  	[smem:$0x3FB2] =	sst s4  }
0xd: {  	[smem:$0x3FB3] =	sst s5  }
0xe: {  	[smem:$0x3FB4] =	sst s6  }
0xf: {  	[smem:$0x3FB5] =	sst s7  }
0x10: {  	[smem:$0x3FB6] =	sst s8  }
0x11: {  	[smem:$0x3FB7] =	sst s9;
	s0 =	simm.s32 @!p0 $0x0  }
0x12: {  	s1 =	sld [smem:$0x3F9D];
	s0 =	simm.s32 @p0 $0x1  }
0x13: {  	[smem:$0x3FB8] =	sst s0;
	s0 =	simm.s32 @!p1 $0x0  }
0x14: {  	s2 =	sld [smem:$0x3F9C];
	s0 =	simm.s32 @p1 $0x1  }
0x15: {  	[smem:$0x3FB9] =	sst s0;
	s0 =	simm.s32 @!p2 $0x0  }
0x16: {  	s3 =	sld [smem:$0x3FDB];
	s0 =	simm.s32 @p2 $0x1  }
0x17: {  	s4 =	simm.s32 $0x1BF5;
	[smem:$0x3FBB] =	sst s0  }
0x18: {  	s0 =	sld [smem:$0x3F9E];
	_ =	swait.ge [sflag:s4], $0x0  }
0x19: {  	s7 =	sld [smem:$0x3F9F]  }
0x1a: {  	s8 =	sadd.s32 $0xFFFFE003, lr  }
0x1b: {  	s9 =	sadd.s32 $0xFFFFFEF7, lr;
	s5 =	simm.s32 $0xFFFFFFFF;
	p2 =	slt.u32 s8, $0xFFFFF086  }
0x1c: {  	p1 =	slt.u32 s9, $0xF7A;
	s5 =	simm.s32 @!p2 $0x0  }
0x1d: {  	s5 =	simm.s32 @p1 $0x1;
	p0 =	seq.s32 s7, s2  }
0x1e: {  	s7 =	smul.u32 @!p0 $0xF7A, s2;
	p2 =	seq.s32 @!p0 s5, $0x0  }
0x1f: {  	s9 =	smul.u32 $0xF7A, s1;
	s8 =	simm.s32 @!p0 $0x1BF5;
	p2 =	por !p2, p0  }
0x20: {  	[sflag:s8] =	ssyncset.s32 @!p0 $0xFFFFF086;
	s6 =	sadd.s32 @!p0 s3, s7;
	s7 =	simm.s32 @!p0 $0x108  }
0x21: {  	s3 =	sadd.s32 s3, s9;
	s6 =	sadd.s32 @!p0 $0x88, s6;
	s7 =	simm.s32 @p2 $0x1082  }
0x22: {  	[simem:s7], [sflag:s8] =	dma.local @!p0 [hbm:s6], $0xF7A  }
0x23: {  	s9 =	sor.u32 $0xD0000000, s2;
	s6 =	simm.s32 $0x108;
	_ =	swait.ge @!p0 [sflag:s8], $0x0  }
0x24: {  	s3 =	sadd.s32 $0x88, s3;
	s6 =	simm.s32 @!p1 $0x1082;
	[sflag:s4] =	ssyncset.s32 $0xFFFFF086  }
0x25: {  	[simem:s6], [sflag:s4] =	dma.local [hbm:s3], $0xF7A  }
0x26: {  	[smem:$0x3F9F] =	sst s1;
	(tag) =	ssettag s2;
	_ =	strace s9  }
0x27: {  	s1 =	sld [smem:$0x3FAF]  }
0x28: {  	s2 =	sld [smem:$0x3FB0]  }
0x29: {  	s4 =	sld [smem:$0x3FB2]  }
0x2a: {  	p0 =	seq.s32 s5, $0x0;
	s5 =	sld [smem:$0x3FB3]  }
0x2b: {  	s6 =	sld [smem:$0x3FB4]  }
0x2c: {  	s7 =	sld [smem:$0x3FB5]  }
0x2d: {  	s3 =	simm.s32 $0x108;
	s8 =	sld [smem:$0x3FB6]  }
0x2e: {  	s3 =	simm.s32 @!p0 $0x1082;
	s9 =	sld [smem:$0x3FB7]  }
0x2f: {  	lr =	sadd.s32 s0, s3;
	s0 =	sld [smem:$0x3FAE]  }
0x30: {  	s3 =	sld [smem:$0x3FB1]  }
0x31: {  	[smem:$0x3FBA] =	sst s10  }
0x32: {  	s10 =	sld [smem:$0x3FB8];
	_ =	sdelay $0x3  }
0x33: {  	p0 =	seq.s32 s10, $0x1;
	s10 =	sld [smem:$0x3FBA];
	_ =	sdelay $0x3  }
0x34: {  	[smem:$0x3FBA] =	sst s10  }
0x35: {  	s10 =	sld [smem:$0x3FB9];
	_ =	sdelay $0x3  }
0x36: {  	p1 =	seq.s32 s10, $0x1;
	s10 =	sld [smem:$0x3FBA];
	_ =	sdelay $0x3  }
0x37: {  	[smem:$0x3FBA] =	sst s10  }
0x38: {  	s10 =	sld [smem:$0x3FBB]  }
0x39: {  	_ = 	snop;
	(pc) =	sbr.ind lr, $3  }
0x3a: {  	_ = 	snop  }
0x3b: {  	_ = 	snop  }
0x3c: {  	p2 =	seq.s32 s10, $0x1;
	s10 =	sld [smem:$0x3FBA]  }
0x3d: {  	_ =	shalt  }
0x3e: {  	_ =	shalt  }
0x3f: {  	_ =	shalt  }
0x40: {  	_ =	shalt  }
0x41: {  	_ =	shalt  }
0x42: {  	_ =	shalt  }
0x43: {  	_ =	shalt  }
0x44: {  	_ =	shalt  }
0x45: {  	_ =	shalt  }
0x46: {  	_ =	shalt  }
0x47: {  	_ =	shalt  }
0x48: {  	_ =	shalt  }
0x49: {  	_ =	shalt  }
0x4a: {  	_ =	shalt  }
0x4b: {  	_ =	shalt  }
0x4c: {  	_ =	shalt  }
0x4d: {  	_ =	shalt  }
0x4e: {  	_ =	shalt  }
0x4f: {  	_ =	shalt  }
0x50: {  	_ =	shalt  }
0x51: {  	_ =	shalt  }
0x52: {  	_ =	shalt  }
0x53: {  	_ =	shalt  }
0x54: {  	_ =	shalt  }
0x55: {  	_ =	shalt  }
0x56: {  	_ =	shalt  }
0x57: {  	_ =	shalt  }
0x58: {  	_ =	shalt  }
0x59: {  	_ =	shalt  }
0x5a: {  	_ =	shalt  }
0x5b: {  	_ =	shalt  }
0x5c: {  	_ =	shalt  }
0x5d: {  	_ =	shalt  }
0x5e: {  	_ =	shalt  }
0x5f: {  	_ =	shalt  }
0x60: {  	_ =	shalt  }
0x61: {  	_ =	shalt  }
0x62: {  	_ =	shalt  }
0x63: {  	_ =	shalt  }
0x64: {  	_ =	shalt  }
0x65: {  	_ =	shalt  }
0x66: {  	_ =	shalt  }
0x67: {  	_ =	shalt  }
0x68: {  	_ =	shalt  }
0x69: {  	_ =	shalt  }
0x6a: {  	_ =	shalt  }
0x6b: {  	_ =	shalt  }
0x6c: {  	_ =	shalt  }
0x6d: {  	_ =	shalt  }
0x6e: {  	_ =	shalt  }
0x6f: {  	_ =	shalt  }
0x70: {  	_ =	shalt  }
0x71: {  	_ =	shalt  }
0x72: {  	_ =	shalt  }
0x73: {  	_ =	shalt  }
0x74: {  	_ =	shalt  }
0x75: {  	_ =	shalt  }
0x76: {  	_ =	shalt  }
0x77: {  	_ =	shalt  }
0x78: {  	_ =	shalt  }
0x79: {  	_ =	shalt  }
0x7a: {  	_ =	shalt  }
0x7b: {  	_ =	shalt  }
0x7c: {  	_ =	shalt  }
0x7d: {  	_ =	shalt  }
0x7e: {  	_ =	shalt  }
0x7f: {  	_ =	shalt  }
0x80: {  	_ =	shalt  }
0x81: {  	_ =	shalt  }
0x82: {  	_ =	shalt  }
0x83: {  	_ =	shalt  }
0x84: {  	_ =	shalt  }
0x85: {  	_ =	shalt  }
0x86: {  	_ =	shalt  }
0x87: {  	_ =	shalt  }
.Lfunc_end0:
.L_simem_size_0:
called_computation.1_lowered:
.L_overlay_start_0:
0x88: {  	s2 =	sld [smem:$0x3FD9]  }
0x89: {  	s3 =	sld [smem:$0x3FFE];
	_ =	sdelay $0x1  }
0x8a: {  	s1 =	srdreg.scid  }
0x8b: {  	s0 =	sand.u32 $0x1, s1  }
0x8c: {  	s15 =	sshll.u32 s0, $0xA;
	s2 =	sadd.s32 s3, s2  }
0x8d: {  	s2 =	sadd.s32 s2, s15  }
0x8e: {  	[smem:$0x3FC6] =	sst s2  }
0x8f: {  	_ = 	snop  }
0x90: {  	s2 =	sld [smem:$0x3FD0];
	_ =	sdelay $0x2  }
0x91: {  	s16 =	simm.s32 $0xB;
	s4 =	simm.s32 $0x10  }
0x92: {  	[smem:s4], [sflag:s16] =	dma.local [hbm:s2], $0x1  }
0x93: {  	_ =	swait.eq [sflag:s16], $0x1  }
0x94: {  	[sflag:s16] =	ssyncset.done $0x0  }
0x95: {  	[sflag:s16] =	ssyncadd.s32 $0xFFFFFFFF  }
0x96: {  	s17 =	sld [smem:$0x10];
	(tm) =	ssettm $0x1  }
0x97: {  	s18 =	sld [smem:$0x3FFB];
	_ =	sdelay $0x3  }
0x98: {  	_ =	strace s18  }
0x99: {  	s2 =	sld [smem:$0x3FFC];
	_ =	sdelay $0x3  }
0x9a: {  	_ =	strace s2  }
0x9b: {  	s2 =	sld [smem:$0x3FFD];
	_ =	sdelay $0x3  }
0x9c: {  	_ =	strace s2  }
0x9d: {  	_ =	strace $0x8FFFFFFF  }
0x9e: {  	s19 =	sld [smem:$0x3FDB];
	_ =	sdelay $0x1  }
0x9f: {  	s20 =	simm.s32 $_scs_section_size  }
0xa0: {  	s5 =	simm.s32 $_size__tile_overlayer_lowered;
	s6 =	simm.s32 $_tile_overlayer_lowered  }
0xa1: {  	s7 =	simm.s32 $0x1BFF;
	s21 =	sshll.u32 s6, $0x1;
	s4 =	sadd.s32 s20, s19  }
0xa2: {  	s22 =	simm.s32 $0x0;
	s5 =	sshll.u32 s5, $0x1;
	s6 =	sadd.s32 s21, s4  }
0xa3: {  	[timem:s22], [sflag:s7] =	dma.local [hbm:s6], s5  }
0xa4: {  	_ =	swait.ge [sflag:s7], s5  }
0xa5: {  	s5 =	ssub.s32 $0x0, s5;
	[sflag:s7] =	ssyncset.done $0x0  }
0xa6: {  	[sflag:s7] =	ssyncadd.s32 s5;
	_ =	sdelay $0x1  }
0xa7: {  	s23 =	simm.s32 $0x1B8B  }
0xa8: {  	_ =	swait.ge [sflag:s23], $0x1  }
0xa9: {  	[sflag:s23] =	ssyncset.done $0x0  }
0xaa: {  	[sflag:s23] =	ssyncadd.s32 $0xFFFFFFFF  }
0xab: {  	s5 =	sld [smem:$0x0]  }
0xac: {  	s6 =	sand.u32 $0xFFFFFFFE, s1  }
0xad: {  	p0 =	sne.s32 s1, s6  }
0xae: {  	s6 =	sshll.u32 @p0 s6, $0xE  }
0xaf: {  	s6 =	sadd.s32 @p0 $0x11B8D, s6;
	s7 =	sshll.u32 @p0 s5, $0x11  }
0xb0: {  	s6 =	sor.u32 @p0 s7, s6  }
0xb1: {  	[sflag:s6] =	ssyncadd.remote.s32 @p0 $0x1;
	_ =	sdelay $0x1  }
0xb2: {  	s6 =	simm.s32 @p0 $0x1B8D  }
0xb3: {  	_ =	swait.eq @p0 [sflag:s6], $0x1  }
0xb4: {  	[sflag:s6] =	ssyncadd.s32 @p0 $0xFFFFFFFF  }
0xb5: {  	s7 =	sshll.u32 @!p0 s1, $0xE  }
0xb6: {  	s7 =	sor.u32 @!p0 $0x4000, s7;
	s6 =	simm.s32 @!p0 $0x1B8D  }
0xb7: {  	s5 =	sshll.u32 @!p0 s5, $0x11;
	s7 =	sadd.s32 @!p0 $0x11B8D, s7;
	_ =	swait.eq @!p0 [sflag:s6], $0x1  }
0xb8: {  	s5 =	sor.u32 @!p0 s5, s7;
	[sflag:s6] =	ssyncadd.s32 @!p0 $0xFFFFFFFF  }
0xb9: {  	s25 =	simm.s32 $0x1B8E;
	s24 =	sld [smem:$0x3FFE];
	[sflag:s5] =	ssyncadd.remote.s32 @!p0 $0x1  }
0xba: {  	s26 =	simm.s32 $execute0_lowered;
	[smem:$0x3FD2] =	sst s25  }
0xbb: {  	s6 =	sshll.u32 s26, $0x1;
	_ =	strace $0x8000004F;
	[dreg:$0x1] =	wrdreg $0xFFFFFFFF  }
0xbc: {  	s28 =	simm.s32 $_size_execute0_lowered;
	s4 =	sadd.s32 s4, s6;
	[dreg:$0x0] =	wrdreg $0x0  }
0xbd: {  	s6 =	sshll.u32 s28, $0x1;
	[dreg:$0x2] =	wrdreg s4  }
0xbe: {  	[dreg:$0x3] =	wrdreg s6  }
0xbf: {  	[dreg:$0x4] =	wrdreg $0xC0  }
0xc0: {  	_ =	task [dreg:s22], $0x5FFFF  }
0xc1: {  	[dreg:$0x1] =	wrdreg $0xFFFFFFFF  }
0xc2: {  	[dreg:$0x0] =	wrdreg $0x60  }
0xc3: {  	[dreg:$0x2] =	wrdreg s24  }
0xc4: {  	[dreg:$0x3] =	wrdreg s17  }
0xc5: {  	[dreg:$0x4] =	wrdreg $0x9  }
0xc6: {  	_ =	task.clear_ibuf [dreg:s22], $0x5FFFF;
	_ =	strace $0x9000004F  }
0xc7: {  	s29 =	simm.s32 $0x9;
	_ =	strace $0x80000051  }
0xc8: {  	_ =	swait.ge [sflag:s29], $0x1  }
0xc9: {  	[sflag:s29] =	ssyncadd.s32 $0xFFFFFFFF  }
0xca: {  	_ =	strace $0x90000051  }
0xcb: {  	_ =	sfence  }
0xcc: {  	s30 =	sld [smem:$0x0];
	_ =	sdelay $0x2  }
0xcd: {  	s31 =	sshll.u32 s1, $0xD;
	s1 =	sshrl.u32 s1, $0x2  }
0xce: {  	s4 =	sand.u32 $0x4000, s31;
	s1 =	sadd.s32 s1, s30  }
0xcf: {  	s0 =	sor.u32 s4, s0;
	s1 =	sshll.u32 s1, $0x11  }
0xd0: {  	s0 =	sor.u32 s1, s0  }
0xd1: {  	s0 =	sadd.s32 $0x8F2B, s0  }
0xd2: {  	[sflag:s0] =	ssyncadd.remote.s32 $0x1  }
0xd3: {  	_ =	sfence.sel $0xFFFF  }
0xd4: {  	[dreg:$0x0] =	wrdreg $0xFFFFFFFF;
	(pc) =	sbr.abs _section_cstart, $3  }
0xd5: {  	[dreg:$0x1] =	wrdreg $0xFFFFFFFF  }
0xd6: {  	_ =	task.clear_ibuf [dreg:s22], $0x2FFFF;
	_ =	strace $0x9FFFFFFF  }
0xd7: {  	(tm) =	ssettm $0x7FFFFFFF  }
tec
execute0_lowered:
.L_overlay_start_1:
0x0: {  	(tag) =	ssettag $0x1  }
0x1: {  	s8 =	rddreg [dreg:$0x0]  }
0x2: {  	s2 =	rddreg [dreg:$0x1]  }
0x3: {  	s0 =	rddreg [dreg:$0x2];
	s1 =	stileid.u32  }
0x4: {  	s3 =	srdreg.scid;
	_ =	strace $0x80000050;
	s4 =	simm.s32 $0x1  }
0x5: {  	s7 =	simm.s32 $0x1;
	s9 =	simm.s32 $0x1;
	s10 =	simm.s32 $0x3  }
0x6: {  	s13 =	simm.s32 $0x0;
	s5 =	sand.u32 $0x1, s3;
	s6 =	sshll.u32 s1, $0x1  }
0x7: {  	s12 =	simm.s32 $0x0;
	s3 =	sadd.s32 $0xA00, s8;
	s5 =	sor.u32 s6, s5  }
.Ltmp0:
0x8: {  	[sflag:s4] =	ssyncpa.u1 $0x0;
	p0 =	slt.u32 s5, $0x13;
	(pc) =	sbr.rel .LBB2_1-.Ltmp0, $4  }
0x9: {  	s6 =	simm.s32 $0x2;
	s7 =	simm.s32 @!p0 $0x0;
	p0 =	sne.s32 s5, $0x12  }
0xa: {  	[sflag:s6] =	ssyncpa.u1 $0x0;
	s5 =	smul.u32 $0x190, s5;
	s9 =	simm.s32 @!p0 $0x0  }
0xb: {  	s8 =	sadd.s32 $0x1E00, s8;
	[sflag:s10] =	ssyncpa.u1 $0x0;
	s7 =	sadd.s32 s9, s7  }
0xc: {  	vm0 =	vmmov $0xffff;
	s10 =	simm.s32 $0x0;
	s11 =	smov.u32 s5;
	s9 =	sadd.s32 $0x1, s7  }
.LBB2_4:
0xd: {  	v2 =	vnsel vm1, $0x0, v2  }
0xe: {  	vm1 =	vgt.s32 v0, $0x0;
	v2 =	vmin.u32 v2, $0x4E1F  }
0xf: {  	v0 =	vnsel vm1, $0x0, v0  }
0x10: {  	v0 =	vmin.u32 v0, $0x4E1F  }
0x11: {  	[tilespmem:s18], [sflag:$0x1] =	stream.indirect_vreg.gather [hbm4b:s3+s10], $0x1, v1, vm0, $0x4038;
	[tilespmem:$0x640] =	vst v63  }
0x12: {  	(ifvalue) =	ssetifvalue $0x7FFFFFFF  }
0x13: {  	[tilespmem:s15], [sflag:$0x1] =	stream.indirect_vreg.gather [hbm4b:s3+s10], $0x1, v2, vm0, $0x4038;
	[tilespmem:$0x640] =	vst v63  }
0x14: {  	s29 =	sadd.s32 $0x10, s15;
	(ifvalue) =	ssetifvalue $0x7FFFFFFF  }
0x15: {  	[tilespmem:s29], [sflag:$0x1] =	stream.indirect_vreg.gather [hbm4b:s3+s10], $0x1, v0, vm0, $0x4038;
	[tilespmem:$0x640] =	vst v63  }
0x16: {  	_ =	swait.ge [sflag:s4], $0x190  }
0x17: {  	s30 =	sshrl.u32 s13, $0x3;
	[sflag:s4] =	ssyncset.done $0x0  }
0x18: {  	s31 =	sand.u32 $0x7, s13;
	s15 =	sadd.s32 s8, s30;
	[sflag:s4] =	ssyncadd.s32 $0xFFFFFE70  }
0x19: {  	[hbm4b:s15+s31] =	stream.linear.scatter [tilespmem:s14], [sflag:$0x3], $0x190, $0x38;
	[tilespmem:$0x640] =	vst v63  }
.LBB2_5:
0x1a: {  	s15 =	sadd.s32 $0x3200, s11  }
0x1b: {  	p1 =	sgt.s32 s15, $0x4E1F  }
0x1c: {  	s15 =	smov.u32 @p1 s5;
	p1 =	sne.s32 s12, s9  }
.Ltmp1:
0x1d: {  	p0 =	slt.u32 s12, $0x2;
	(pc) =	sbr.rel @!p1 .LBB2_6-.Ltmp1, $4  }
0x1e: {  	s14 =	simm.s32 @!p0 $0x3  }
0x1f: {  	_ =	swait.ge @!p0 [sflag:s14], $0x190  }
0x20: {  	s16 =	sadd.s32 $0x1, s12;
	s13 =	smov.u32 s11;
	[sflag:s14] =	ssyncset.done @!p0 $0x0  }
0x21: {  	s12 =	smov.u32 s16;
	s11 =	smov.u32 s15;
	[sflag:s14] =	ssyncadd.s32 @!p0 $0xFFFFFE70  }
.LBB2_1:
0x22: {  	p0 =	sge.u32 s12, s7  }
0x23: {  	s14 =	sxor.u32 @!p0 $0x1, s12  }
0x24: {  	s14 =	smul.u32 @!p0 $0x640, s14  }
0x25: {  	s31 =	sadd.s32 $0xFFFFFFFF, s12;
	s15 =	sshrl.u32 @!p0 s11, $0x3  }
0x26: {  	s16 =	sand.u32 @!p0 $0x7, s11;
	s15 =	sadd.s32 @!p0 s2, s15;
	s14 =	sshra.s32 @!p0 s14, $0x2  }
0x27: {  	[tilespmem:s14], [sflag:$0x2] =	stream.linear.gather @!p0 [hbm4b:s15+s16], $0x190, $0x38;
	[tilespmem:$0x640] =	vst v63  }
0x28: {  	p0 =	sge.u32 s31, s7  }
.Ltmp2:
0x29: {  	_ = 	snop;
	(pc) =	sbr.rel @p0 .LBB2_5-.Ltmp2, $1  }
0x2a: {  	_ =	sdelay $0x3  }
0x2b: {  	s14 =	sand.u32 $0x1, s12  }
0x2c: {  	_ =	swait.ge [sflag:s6], $0x190;
	p0 =	seq.s32 s14, $0x1;
	s14 =	simm.s32 $0x190  }
0x2d: {  	[sflag:s6] =	ssyncset.done $0x0;
	s14 =	simm.s32 @!p0 $0x0  }
0x2e: {  	[sflag:s6] =	ssyncadd.s32 $0xFFFFFE70;
	(ifvalue) =	ssetifvalue $0x7FFFFFFF;
	v0 =	vld.msk [tilespmem:s14+$0x0 ss:$0x1], $0xffff;
	_ =	sdelay $0x4  }
0x2f: {  	s15 =	sadd.s32 $0x10, s14;
	vm1 =	vgt.s32 v0, $0x0  }
0x30: {  	v2 =	vld.msk [tilespmem:s15+$0x0 ss:$0x1], $0xffff;
	v1 =	vnsel vm1, $0x0, v0  }
0x31: {  	v1 =	vmin.u32 v1, $0x4E1F;
	_ =	sdelay $0x2  }
0x32: {  	s17 =	simm.s32 $0x20;
	s14 =	sadd.s32 $0x320, s14;
	s16 =	sadd.s32 $0x10, s15  }
0x33: {  	s15 =	sadd.s32 $0x10, s14;
	s18 =	smov.u32 s14;
	v0 =	vld.msk [tilespmem:s16+$0x0 ss:$0x1], $0xffff;
	vm1 =	vgt.s32 v2, $0x0;
	(ifvalue) =	ssetifvalue $0x7FFFFFFF  }
.LBB2_3:
0x34: {  	[tilespmem:s18], [sflag:$0x1] =	stream.indirect_vreg.gather [hbm4b:s3+s10], $0x1, v1, vm0, $0x4038;
	[tilespmem:$0x640] =	vst v63  }
0x35: {  	s17 =	sadd.s32 $0x10, s17  }
0x36: {  	v2 =	vnsel vm1, $0x0, v2;
	p0 =	slt.u32 s17, $0x180  }
.Ltmp3:
0x37: {  	s18 =	smov.u32 s15;
	v1 =	vmin.u32 v2, $0x4E1F;
	(pc) =	sbr.rel @p0 .LBB2_3-.Ltmp3, $3  }
0x38: {  	_ =	sdelay $0x1  }
0x39: {  	s16 =	sadd.s32 $0x10, s16  }
0x3a: {  	vm1 =	vgt.s32 v0, $0x0;
	s15 =	sadd.s32 $0x10, s15;
	v2 =	vmov v0;
	(ifvalue) =	ssetifvalue $0x7FFFFFFF;
	v0 =	vld.msk [tilespmem:s16+$0x0 ss:$0x1], $0xffff  }
.Ltmp4:
0x3b: {  	_ = 	snop;
	(pc) =	sbr.rel .LBB2_4-.Ltmp4, $1  }
0x3c: {  	_ =	sdelay $0x3  }
.LBB2_6:
0x3d: {  	_ =	sfence.sel $0x180000  }
0x3e: {  	s2 =	simm.s32 $0x2;
	[bflag:$0x0] =	sbarrier.arrive $0xFFFF  }
0x3f: {  	s30 =	simm.s32 $0x3;
	[sflag:s2] =	ssyncpa.u1 $0x1  }
0x40: {  	s31 =	simm.s32 $0x1;
	[sflag:s30] =	ssyncpa.u1 $0x1  }
0x41: {  	[sflag:s31] =	ssyncpa.u1 $0x1  }
0x42: {  	p0 =	sne.s32 s1, $0x0;
	_ =	strace $0x90000050  }
0x43: {  	s0 =	sadd.s32 @!p0 $0x100000, s0;
	[bflag:$0x2] =	sbarrier.arrive $0xFFFF  }
0x44: {  	[sflag:s0] =	ssyncadd.tile.s32 @!p0 $0x1;
	_ =	shalt  }
.Lfunc_end2:
_tile_overlayer_lowered:
.L_overlay_start_2:
0x45: {  	(tag) =	ssettag $0x2  }
0x46: {  	s0 =	rddreg [dreg:$0x0];
	s2 =	stileid.u32  }
0x47: {  	s1 =	rddreg [dreg:$0x1];
	p0 =	sne.s32 s2, $0x0  }
0x48: {  	s3 =	rddreg [dreg:$0x2];
	[bflag:$0x3] =	sbarrier.arrive $0xFFFF;
	s2 =	simm.s32 @!p0 $0x1C01  }
0x49: {  	[timem:s3], [sflag:s2] =	dma.local @!p0 [hbm:s0], s1  }
0x4a: {  	s0 =	simm.s32 @!p0 $0x1  }
0x4b: {  	_ =	swait.ge @!p0 [sflag:s0], s1  }
0x4c: {  	s1 =	ssub.s32 @!p0 $0x0, s1;
	[sflag:s0] =	ssyncset.done @!p0 $0x0  }
0x4d: {  	[sflag:s0] =	ssyncadd.s32 @!p0 s1  }
0x4e: {  	[bflag:$0x3] =	sbarrier.arrive $0xFFFF  }
0x4f: {  	_ =	shalt  }

// kernel: gather_offload_async_start.2
scs
__scs_entry_jumppad:
0x0: {  	(pc) =	sbr.rel $0x88, $3  }
0x1: {  	(tag) =	ssettag $0x0;
	lr =	simm.s32 $0x1  }
0x2: {  	[smem:$0x3F9F] =	sst lr;
	_ =	strace $0xD0000000  }
0x3: {  	_ = 	snop  }
0x4: {  	_ = 	snop  }
0x5: {  	_ = 	snop  }
0x6: {  	_ = 	snop  }
0x7: {  	_ = 	snop  }
__scs_overlays_trampoline_lowered:
0x8: {  	[smem:$0x3FAE] =	sst s0  }
0x9: {  	[smem:$0x3FAF] =	sst s1  }
0xa: {  	[smem:$0x3FB0] =	sst s2  }
0xb: {  	[smem:$0x3FB1] =	sst s3  }
0xc: {  	[smem:$0x3FB2] =	sst s4  }
0xd: {  	[smem:$0x3FB3] =	sst s5  }
0xe: {  	[smem:$0x3FB4] =	sst s6  }
0xf: {  	[smem:$0x3FB5] =	sst s7  }
0x10: {  	[smem:$0x3FB6] =	sst s8  }
0x11: {  	[smem:$0x3FB7] =	sst s9;
	s0 =	simm.s32 @!p0 $0x0  }
0x12: {  	s1 =	sld [smem:$0x3F9D];
	s0 =	simm.s32 @p0 $0x1  }
0x13: {  	[smem:$0x3FB8] =	sst s0;
	s0 =	simm.s32 @!p1 $0x0  }
0x14: {  	s2 =	sld [smem:$0x3F9C];
	s0 =	simm.s32 @p1 $0x1  }
0x15: {  	[smem:$0x3FB9] =	sst s0;
	s0 =	simm.s32 @!p2 $0x0  }
0x16: {  	s3 =	sld [smem:$0x3FDB];
	s0 =	simm.s32 @p2 $0x1  }
0x17: {  	s4 =	simm.s32 $0x1BF5;
	[smem:$0x3FBB] =	sst s0  }
0x18: {  	s0 =	sld [smem:$0x3F9E];
	_ =	swait.ge [sflag:s4], $0x0  }
0x19: {  	s7 =	sld [smem:$0x3F9F]  }
0x1a: {  	s8 =	sadd.s32 $0xFFFFE003, lr  }
0x1b: {  	s9 =	sadd.s32 $0xFFFFFEF7, lr;
	s5 =	simm.s32 $0xFFFFFFFF;
	p2 =	slt.u32 s8, $0xFFFFF086  }
0x1c: {  	p1 =	slt.u32 s9, $0xF7A;
	s5 =	simm.s32 @!p2 $0x0  }
0x1d: {  	s5 =	simm.s32 @p1 $0x1;
	p0 =	seq.s32 s7, s2  }
0x1e: {  	s7 =	smul.u32 @!p0 $0xF7A, s2;
	p2 =	seq.s32 @!p0 s5, $0x0  }
0x1f: {  	s9 =	smul.u32 $0xF7A, s1;
	s8 =	simm.s32 @!p0 $0x1BF5;
	p2 =	por !p2, p0  }
0x20: {  	[sflag:s8] =	ssyncset.s32 @!p0 $0xFFFFF086;
	s6 =	sadd.s32 @!p0 s3, s7;
	s7 =	simm.s32 @!p0 $0x108  }
0x21: {  	s3 =	sadd.s32 s3, s9;
	s6 =	sadd.s32 @!p0 $0x88, s6;
	s7 =	simm.s32 @p2 $0x1082  }
0x22: {  	[simem:s7], [sflag:s8] =	dma.local @!p0 [hbm:s6], $0xF7A  }
0x23: {  	s9 =	sor.u32 $0xD0000000, s2;
	s6 =	simm.s32 $0x108;
	_ =	swait.ge @!p0 [sflag:s8], $0x0  }
0x24: {  	s3 =	sadd.s32 $0x88, s3;
	s6 =	simm.s32 @!p1 $0x1082;
	[sflag:s4] =	ssyncset.s32 $0xFFFFF086  }
0x25: {  	[simem:s6], [sflag:s4] =	dma.local [hbm:s3], $0xF7A  }
0x26: {  	[smem:$0x3F9F] =	sst s1;
	(tag) =	ssettag s2;
	_ =	strace s9  }
0x27: {  	s1 =	sld [smem:$0x3FAF]  }
0x28: {  	s2 =	sld [smem:$0x3FB0]  }
0x29: {  	s4 =	sld [smem:$0x3FB2]  }
0x2a: {  	p0 =	seq.s32 s5, $0x0;
	s5 =	sld [smem:$0x3FB3]  }
0x2b: {  	s6 =	sld [smem:$0x3FB4]  }
0x2c: {  	s7 =	sld [smem:$0x3FB5]  }
0x2d: {  	s3 =	simm.s32 $0x108;
	s8 =	sld [smem:$0x3FB6]  }
0x2e: {  	s3 =	simm.s32 @!p0 $0x1082;
	s9 =	sld [smem:$0x3FB7]  }
0x2f: {  	lr =	sadd.s32 s0, s3;
	s0 =	sld [smem:$0x3FAE]  }
0x30: {  	s3 =	sld [smem:$0x3FB1]  }
0x31: {  	[smem:$0x3FBA] =	sst s10  }
0x32: {  	s10 =	sld [smem:$0x3FB8];
	_ =	sdelay $0x3  }
0x33: {  	p0 =	seq.s32 s10, $0x1;
	s10 =	sld [smem:$0x3FBA];
	_ =	sdelay $0x3  }
0x34: {  	[smem:$0x3FBA] =	sst s10  }
0x35: {  	s10 =	sld [smem:$0x3FB9];
	_ =	sdelay $0x3  }
0x36: {  	p1 =	seq.s32 s10, $0x1;
	s10 =	sld [smem:$0x3FBA];
	_ =	sdelay $0x3  }
0x37: {  	[smem:$0x3FBA] =	sst s10  }
0x38: {  	s10 =	sld [smem:$0x3FBB]  }
0x39: {  	_ = 	snop;
	(pc) =	sbr.ind lr, $3  }
0x3a: {  	_ = 	snop  }
0x3b: {  	_ = 	snop  }
0x3c: {  	p2 =	seq.s32 s10, $0x1;
	s10 =	sld [smem:$0x3FBA]  }
0x3d: {  	_ =	shalt  }
0x3e: {  	_ =	shalt  }
0x3f: {  	_ =	shalt  }
0x40: {  	_ =	shalt  }
0x41: {  	_ =	shalt  }
0x42: {  	_ =	shalt  }
0x43: {  	_ =	shalt  }
0x44: {  	_ =	shalt  }
0x45: {  	_ =	shalt  }
0x46: {  	_ =	shalt  }
0x47: {  	_ =	shalt  }
0x48: {  	_ =	shalt  }
0x49: {  	_ =	shalt  }
0x4a: {  	_ =	shalt  }
0x4b: {  	_ =	shalt  }
0x4c: {  	_ =	shalt  }
0x4d: {  	_ =	shalt  }
0x4e: {  	_ =	shalt  }
0x4f: {  	_ =	shalt  }
0x50: {  	_ =	shalt  }
0x51: {  	_ =	shalt  }
0x52: {  	_ =	shalt  }
0x53: {  	_ =	shalt  }
0x54: {  	_ =	shalt  }
0x55: {  	_ =	shalt  }
0x56: {  	_ =	shalt  }
0x57: {  	_ =	shalt  }
0x58: {  	_ =	shalt  }
0x59: {  	_ =	shalt  }
0x5a: {  	_ =	shalt  }
0x5b: {  	_ =	shalt  }
0x5c: {  	_ =	shalt  }
0x5d: {  	_ =	shalt  }
0x5e: {  	_ =	shalt  }
0x5f: {  	_ =	shalt  }
0x60: {  	_ =	shalt  }
0x61: {  	_ =	shalt  }
0x62: {  	_ =	shalt  }
0x63: {  	_ =	shalt  }
0x64: {  	_ =	shalt  }
0x65: {  	_ =	shalt  }
0x66: {  	_ =	shalt  }
0x67: {  	_ =	shalt  }
0x68: {  	_ =	shalt  }
0x69: {  	_ =	shalt  }
0x6a: {  	_ =	shalt  }
0x6b: {  	_ =	shalt  }
0x6c: {  	_ =	shalt  }
0x6d: {  	_ =	shalt  }
0x6e: {  	_ =	shalt  }
0x6f: {  	_ =	shalt  }
0x70: {  	_ =	shalt  }
0x71: {  	_ =	shalt  }
0x72: {  	_ =	shalt  }
0x73: {  	_ =	shalt  }
0x74: {  	_ =	shalt  }
0x75: {  	_ =	shalt  }
0x76: {  	_ =	shalt  }
0x77: {  	_ =	shalt  }
0x78: {  	_ =	shalt  }
0x79: {  	_ =	shalt  }
0x7a: {  	_ =	shalt  }
0x7b: {  	_ =	shalt  }
0x7c: {  	_ =	shalt  }
0x7d: {  	_ =	shalt  }
0x7e: {  	_ =	shalt  }
0x7f: {  	_ =	shalt  }
0x80: {  	_ =	shalt  }
0x81: {  	_ =	shalt  }
0x82: {  	_ =	shalt  }
0x83: {  	_ =	shalt  }
0x84: {  	_ =	shalt  }
0x85: {  	_ =	shalt  }
0x86: {  	_ =	shalt  }
0x87: {  	_ =	shalt  }
.Lfunc_end0:
.L_simem_size_0:
called_computation.2_lowered:
.L_overlay_start_0:
0x88: {  	s2 =	sld [smem:$0x3FD9]  }
0x89: {  	s3 =	sld [smem:$0x3FFE];
	_ =	sdelay $0x1  }
0x8a: {  	s1 =	srdreg.scid  }
0x8b: {  	s0 =	sand.u32 $0x1, s1  }
0x8c: {  	s15 =	sshll.u32 s0, $0xA;
	s2 =	sadd.s32 s3, s2  }
0x8d: {  	s2 =	sadd.s32 s2, s15  }
0x8e: {  	[smem:$0x3FC6] =	sst s2  }
0x8f: {  	_ = 	snop  }
0x90: {  	s2 =	sld [smem:$0x3FD0];
	_ =	sdelay $0x2  }
0x91: {  	s16 =	simm.s32 $0xB;
	s4 =	simm.s32 $0x10  }
0x92: {  	[smem:s4], [sflag:s16] =	dma.local [hbm:s2], $0x1  }
0x93: {  	_ =	swait.eq [sflag:s16], $0x1  }
0x94: {  	[sflag:s16] =	ssyncset.done $0x0  }
0x95: {  	[sflag:s16] =	ssyncadd.s32 $0xFFFFFFFF  }
0x96: {  	s17 =	sld [smem:$0x10];
	(tm) =	ssettm $0x1  }
0x97: {  	s18 =	sld [smem:$0x3FFB];
	_ =	sdelay $0x3  }
0x98: {  	_ =	strace s18  }
0x99: {  	s2 =	sld [smem:$0x3FFC];
	_ =	sdelay $0x3  }
0x9a: {  	_ =	strace s2  }
0x9b: {  	s2 =	sld [smem:$0x3FFD];
	_ =	sdelay $0x3  }
0x9c: {  	_ =	strace s2  }
0x9d: {  	_ =	strace $0x8FFFFFFF  }
0x9e: {  	s19 =	sld [smem:$0x3FDB];
	_ =	sdelay $0x1  }
0x9f: {  	s20 =	simm.s32 $_scs_section_size  }
0xa0: {  	s5 =	simm.s32 $_size__tile_overlayer_lowered;
	s6 =	simm.s32 $_tile_overlayer_lowered  }
0xa1: {  	s7 =	simm.s32 $0x1BFF;
	s21 =	sshll.u32 s6, $0x1;
	s4 =	sadd.s32 s20, s19  }
0xa2: {  	s22 =	simm.s32 $0x0;
	s5 =	sshll.u32 s5, $0x1;
	s6 =	sadd.s32 s21, s4  }
0xa3: {  	[timem:s22], [sflag:s7] =	dma.local [hbm:s6], s5  }
0xa4: {  	_ =	swait.ge [sflag:s7], s5  }
0xa5: {  	s5 =	ssub.s32 $0x0, s5;
	[sflag:s7] =	ssyncset.done $0x0  }
0xa6: {  	[sflag:s7] =	ssyncadd.s32 s5;
	_ =	sdelay $0x1  }
0xa7: {  	s23 =	simm.s32 $0x1B8B  }
0xa8: {  	_ =	swait.ge [sflag:s23], $0x1  }
0xa9: {  	[sflag:s23] =	ssyncset.done $0x0  }
0xaa: {  	[sflag:s23] =	ssyncadd.s32 $0xFFFFFFFF  }
0xab: {  	s5 =	sld [smem:$0x0]  }
0xac: {  	s6 =	sand.u32 $0xFFFFFFFE, s1  }
0xad: {  	p0 =	sne.s32 s1, s6  }
0xae: {  	s6 =	sshll.u32 @p0 s6, $0xE  }
0xaf: {  	s6 =	sadd.s32 @p0 $0x11B8D, s6;
	s7 =	sshll.u32 @p0 s5, $0x11  }
0xb0: {  	s6 =	sor.u32 @p0 s7, s6  }
0xb1: {  	[sflag:s6] =	ssyncadd.remote.s32 @p0 $0x1;
	_ =	sdelay $0x1  }
0xb2: {  	s6 =	simm.s32 @p0 $0x1B8D  }
0xb3: {  	_ =	swait.eq @p0 [sflag:s6], $0x1  }
0xb4: {  	[sflag:s6] =	ssyncadd.s32 @p0 $0xFFFFFFFF  }
0xb5: {  	s7 =	sshll.u32 @!p0 s1, $0xE  }
0xb6: {  	s7 =	sor.u32 @!p0 $0x4000, s7;
	s6 =	simm.s32 @!p0 $0x1B8D  }
0xb7: {  	s5 =	sshll.u32 @!p0 s5, $0x11;
	s7 =	sadd.s32 @!p0 $0x11B8D, s7;
	_ =	swait.eq @!p0 [sflag:s6], $0x1  }
0xb8: {  	s5 =	sor.u32 @!p0 s5, s7;
	[sflag:s6] =	ssyncadd.s32 @!p0 $0xFFFFFFFF  }
0xb9: {  	s25 =	simm.s32 $0x1B8E;
	s24 =	sld [smem:$0x3FFE];
	[sflag:s5] =	ssyncadd.remote.s32 @!p0 $0x1  }
0xba: {  	s26 =	simm.s32 $execute0_lowered;
	[smem:$0x3FD2] =	sst s25  }
0xbb: {  	s6 =	sshll.u32 s26, $0x1;
	_ =	strace $0x8000004C;
	[dreg:$0x1] =	wrdreg $0xFFFFFFFF  }
0xbc: {  	s28 =	simm.s32 $_size_execute0_lowered;
	s4 =	sadd.s32 s4, s6;
	[dreg:$0x0] =	wrdreg $0x0  }
0xbd: {  	s6 =	sshll.u32 s28, $0x1;
	[dreg:$0x2] =	wrdreg s4  }
0xbe: {  	[dreg:$0x3] =	wrdreg s6  }
0xbf: {  	[dreg:$0x4] =	wrdreg $0xC0  }
0xc0: {  	_ =	task [dreg:s22], $0x5FFFF  }
0xc1: {  	[dreg:$0x1] =	wrdreg $0xFFFFFFFF  }
0xc2: {  	[dreg:$0x0] =	wrdreg $0x60  }
0xc3: {  	[dreg:$0x2] =	wrdreg s24  }
0xc4: {  	[dreg:$0x3] =	wrdreg s17  }
0xc5: {  	[dreg:$0x4] =	wrdreg $0xA  }
0xc6: {  	_ =	task.clear_ibuf [dreg:s22], $0x5FFFF;
	_ =	strace $0x9000004C  }
0xc7: {  	s29 =	simm.s32 $0xA;
	_ =	strace $0x8000004E  }
0xc8: {  	_ =	swait.ge [sflag:s29], $0x1  }
0xc9: {  	[sflag:s29] =	ssyncadd.s32 $0xFFFFFFFF  }
0xca: {  	_ =	strace $0x9000004E  }
0xcb: {  	_ =	sfence  }
0xcc: {  	s30 =	sld [smem:$0x0];
	_ =	sdelay $0x2  }
0xcd: {  	s31 =	sshll.u32 s1, $0xD;
	s1 =	sshrl.u32 s1, $0x2  }
0xce: {  	s4 =	sand.u32 $0x4000, s31;
	s1 =	sadd.s32 s1, s30  }
0xcf: {  	s0 =	sor.u32 s4, s0;
	s1 =	sshll.u32 s1, $0x11  }
0xd0: {  	s0 =	sor.u32 s1, s0  }
0xd1: {  	s0 =	sadd.s32 $0x8F2B, s0  }
0xd2: {  	[sflag:s0] =	ssyncadd.remote.s32 $0x1  }
0xd3: {  	_ =	sfence.sel $0xFFFF  }
0xd4: {  	[dreg:$0x0] =	wrdreg $0xFFFFFFFF;
	(pc) =	sbr.abs _section_cstart, $3  }
0xd5: {  	[dreg:$0x1] =	wrdreg $0xFFFFFFFF  }
0xd6: {  	_ =	task.clear_ibuf [dreg:s22], $0x2FFFF;
	_ =	strace $0x9FFFFFFF  }
0xd7: {  	(tm) =	ssettm $0x7FFFFFFF  }
tec
execute0_lowered:
.L_overlay_start_1:
0x0: {  	(tag) =	ssettag $0x1  }
0x1: {  	s8 =	rddreg [dreg:$0x0]  }
0x2: {  	s2 =	rddreg [dreg:$0x1]  }
0x3: {  	s0 =	rddreg [dreg:$0x2];
	s1 =	stileid.u32  }
0x4: {  	s3 =	srdreg.scid;
	_ =	strace $0x8000004D;
	s4 =	simm.s32 $0x1  }
0x5: {  	s7 =	simm.s32 $0x1;
	s9 =	simm.s32 $0x1;
	s10 =	simm.s32 $0x3  }
0x6: {  	s13 =	simm.s32 $0x0;
	s5 =	sand.u32 $0x1, s3;
	s6 =	sshll.u32 s1, $0x1  }
0x7: {  	s12 =	simm.s32 $0x0;
	s3 =	sadd.s32 $0x1400, s8;
	s5 =	sor.u32 s6, s5  }
.Ltmp0:
0x8: {  	[sflag:s4] =	ssyncpa.u1 $0x0;
	p0 =	slt.u32 s5, $0x13;
	(pc) =	sbr.rel .LBB2_1-.Ltmp0, $4  }
0x9: {  	s6 =	simm.s32 $0x2;
	s7 =	simm.s32 @!p0 $0x0;
	p0 =	sne.s32 s5, $0x12  }
0xa: {  	[sflag:s6] =	ssyncpa.u1 $0x0;
	s5 =	smul.u32 $0x190, s5;
	s9 =	simm.s32 @!p0 $0x0  }
0xb: {  	s8 =	sadd.s32 $0x3200, s8;
	[sflag:s10] =	ssyncpa.u1 $0x0;
	s7 =	sadd.s32 s9, s7  }
0xc: {  	vm0 =	vmmov $0xffff;
	s10 =	simm.s32 $0x0;
	s11 =	smov.u32 s5;
	s9 =	sadd.s32 $0x1, s7  }
.LBB2_4:
0xd: {  	v2 =	vnsel vm1, $0x0, v2  }
0xe: {  	vm1 =	vgt.s32 v0, $0x0;
	v2 =	vmin.u32 v2, $0x4E1F  }
0xf: {  	v0 =	vnsel vm1, $0x0, v0  }
0x10: {  	v0 =	vmin.u32 v0, $0x4E1F  }
0x11: {  	[tilespmem:s18], [sflag:$0x1] =	stream.indirect_vreg.gather [hbm4b:s3+s10], $0x1, v1, vm0, $0x4038;
	[tilespmem:$0x640] =	vst v63  }
0x12: {  	(ifvalue) =	ssetifvalue $0x7FFFFFFF  }
0x13: {  	[tilespmem:s15], [sflag:$0x1] =	stream.indirect_vreg.gather [hbm4b:s3+s10], $0x1, v2, vm0, $0x4038;
	[tilespmem:$0x640] =	vst v63  }
0x14: {  	s29 =	sadd.s32 $0x10, s15;
	(ifvalue) =	ssetifvalue $0x7FFFFFFF  }
0x15: {  	[tilespmem:s29], [sflag:$0x1] =	stream.indirect_vreg.gather [hbm4b:s3+s10], $0x1, v0, vm0, $0x4038;
	[tilespmem:$0x640] =	vst v63  }
0x16: {  	_ =	swait.ge [sflag:s4], $0x190  }
0x17: {  	s30 =	sshrl.u32 s13, $0x3;
	[sflag:s4] =	ssyncset.done $0x0  }
0x18: {  	s31 =	sand.u32 $0x7, s13;
	s15 =	sadd.s32 s8, s30;
	[sflag:s4] =	ssyncadd.s32 $0xFFFFFE70  }
0x19: {  	[hbm4b:s15+s31] =	stream.linear.scatter [tilespmem:s14], [sflag:$0x3], $0x190, $0x38;
	[tilespmem:$0x640] =	vst v63  }
.LBB2_5:
0x1a: {  	s15 =	sadd.s32 $0x3200, s11  }
0x1b: {  	p1 =	sgt.s32 s15, $0x4E1F  }
0x1c: {  	s15 =	smov.u32 @p1 s5;
	p1 =	sne.s32 s12, s9  }
.Ltmp1:
0x1d: {  	p0 =	slt.u32 s12, $0x2;
	(pc) =	sbr.rel @!p1 .LBB2_6-.Ltmp1, $4  }
0x1e: {  	s14 =	simm.s32 @!p0 $0x3  }
0x1f: {  	_ =	swait.ge @!p0 [sflag:s14], $0x190  }
0x20: {  	s16 =	sadd.s32 $0x1, s12;
	s13 =	smov.u32 s11;
	[sflag:s14] =	ssyncset.done @!p0 $0x0  }
0x21: {  	s12 =	smov.u32 s16;
	s11 =	smov.u32 s15;
	[sflag:s14] =	ssyncadd.s32 @!p0 $0xFFFFFE70  }
.LBB2_1:
0x22: {  	p0 =	sge.u32 s12, s7  }
0x23: {  	s14 =	sxor.u32 @!p0 $0x1, s12  }
0x24: {  	s14 =	smul.u32 @!p0 $0x640, s14  }
0x25: {  	s31 =	sadd.s32 $0xFFFFFFFF, s12;
	s15 =	sshrl.u32 @!p0 s11, $0x3  }
0x26: {  	s16 =	sand.u32 @!p0 $0x7, s11;
	s15 =	sadd.s32 @!p0 s2, s15;
	s14 =	sshra.s32 @!p0 s14, $0x2  }
0x27: {  	[tilespmem:s14], [sflag:$0x2] =	stream.linear.gather @!p0 [hbm4b:s15+s16], $0x190, $0x38;
	[tilespmem:$0x640] =	vst v63  }
0x28: {  	p0 =	sge.u32 s31, s7  }
.Ltmp2:
0x29: {  	_ = 	snop;
	(pc) =	sbr.rel @p0 .LBB2_5-.Ltmp2, $1  }
0x2a: {  	_ =	sdelay $0x3  }
0x2b: {  	s14 =	sand.u32 $0x1, s12  }
0x2c: {  	_ =	swait.ge [sflag:s6], $0x190;
	p0 =	seq.s32 s14, $0x1;
	s14 =	simm.s32 $0x190  }
0x2d: {  	[sflag:s6] =	ssyncset.done $0x0;
	s14 =	simm.s32 @!p0 $0x0  }
0x2e: {  	[sflag:s6] =	ssyncadd.s32 $0xFFFFFE70;
	(ifvalue) =	ssetifvalue $0x7FFFFFFF;
	v0 =	vld.msk [tilespmem:s14+$0x0 ss:$0x1], $0xffff;
	_ =	sdelay $0x4  }
0x2f: {  	s15 =	sadd.s32 $0x10, s14;
	vm1 =	vgt.s32 v0, $0x0  }
0x30: {  	v2 =	vld.msk [tilespmem:s15+$0x0 ss:$0x1], $0xffff;
	v1 =	vnsel vm1, $0x0, v0  }
0x31: {  	v1 =	vmin.u32 v1, $0x4E1F;
	_ =	sdelay $0x2  }
0x32: {  	s17 =	simm.s32 $0x20;
	s14 =	sadd.s32 $0x320, s14;
	s16 =	sadd.s32 $0x10, s15  }
0x33: {  	s15 =	sadd.s32 $0x10, s14;
	s18 =	smov.u32 s14;
	v0 =	vld.msk [tilespmem:s16+$0x0 ss:$0x1], $0xffff;
	vm1 =	vgt.s32 v2, $0x0;
	(ifvalue) =	ssetifvalue $0x7FFFFFFF  }
.LBB2_3:
0x34: {  	[tilespmem:s18], [sflag:$0x1] =	stream.indirect_vreg.gather [hbm4b:s3+s10], $0x1, v1, vm0, $0x4038;
	[tilespmem:$0x640] =	vst v63  }
0x35: {  	s17 =	sadd.s32 $0x10, s17  }
0x36: {  	v2 =	vnsel vm1, $0x0, v2;
	p0 =	slt.u32 s17, $0x180  }
.Ltmp3:
0x37: {  	s18 =	smov.u32 s15;
	v1 =	vmin.u32 v2, $0x4E1F;
	(pc) =	sbr.rel @p0 .LBB2_3-.Ltmp3, $3  }
0x38: {  	_ =	sdelay $0x1  }
0x39: {  	s16 =	sadd.s32 $0x10, s16  }
0x3a: {  	vm1 =	vgt.s32 v0, $0x0;
	s15 =	sadd.s32 $0x10, s15;
	v2 =	vmov v0;
	(ifvalue) =	ssetifvalue $0x7FFFFFFF;
	v0 =	vld.msk [tilespmem:s16+$0x0 ss:$0x1], $0xffff  }
.Ltmp4:
0x3b: {  	_ = 	snop;
	(pc) =	sbr.rel .LBB2_4-.Ltmp4, $1  }
0x3c: {  	_ =	sdelay $0x3  }
.LBB2_6:
0x3d: {  	_ =	sfence.sel $0x180000  }
0x3e: {  	s2 =	simm.s32 $0x2;
	[bflag:$0x0] =	sbarrier.arrive $0xFFFF  }
0x3f: {  	s30 =	simm.s32 $0x3;
	[sflag:s2] =	ssyncpa.u1 $0x1  }
0x40: {  	s31 =	simm.s32 $0x1;
	[sflag:s30] =	ssyncpa.u1 $0x1  }
0x41: {  	[sflag:s31] =	ssyncpa.u1 $0x1  }
0x42: {  	p0 =	sne.s32 s1, $0x0;
	_ =	strace $0x9000004D  }
0x43: {  	s0 =	sadd.s32 @!p0 $0x100000, s0;
	[bflag:$0x2] =	sbarrier.arrive $0xFFFF  }
0x44: {  	[sflag:s0] =	ssyncadd.tile.s32 @!p0 $0x1;
	_ =	shalt  }
.Lfunc_end2:
_tile_overlayer_lowered:
.L_overlay_start_2:
0x45: {  	(tag) =	ssettag $0x2  }
0x46: {  	s0 =	rddreg [dreg:$0x0];
	s2 =	stileid.u32  }
0x47: {  	s1 =	rddreg [dreg:$0x1];
	p0 =	sne.s32 s2, $0x0  }
0x48: {  	s3 =	rddreg [dreg:$0x2];
	[bflag:$0x3] =	sbarrier.arrive $0xFFFF;
	s2 =	simm.s32 @!p0 $0x1C01  }
0x49: {  	[timem:s3], [sflag:s2] =	dma.local @!p0 [hbm:s0], s1  }
0x4a: {  	s0 =	simm.s32 @!p0 $0x1  }
0x4b: {  	_ =	swait.ge @!p0 [sflag:s0], s1  }
0x4c: {  	s1 =	ssub.s32 @!p0 $0x0, s1;
	[sflag:s0] =	ssyncset.done @!p0 $0x0  }
0x4d: {  	[sflag:s0] =	ssyncadd.s32 @!p0 s1  }
0x4e: {  	[bflag:$0x3] =	sbarrier.arrive $0xFFFF  }
0x4f: {  	_ =	shalt  }

// kernel: gather_offload_async_start.3
scs
__scs_entry_jumppad:
0x0: {  	(pc) =	sbr.rel $0x88, $3  }
0x1: {  	(tag) =	ssettag $0x0;
	lr =	simm.s32 $0x1  }
0x2: {  	[smem:$0x3F9F] =	sst lr;
	_ =	strace $0xD0000000  }
0x3: {  	_ = 	snop  }
0x4: {  	_ = 	snop  }
0x5: {  	_ = 	snop  }
0x6: {  	_ = 	snop  }
0x7: {  	_ = 	snop  }
__scs_overlays_trampoline_lowered:
0x8: {  	[smem:$0x3FAE] =	sst s0  }
0x9: {  	[smem:$0x3FAF] =	sst s1  }
0xa: {  	[smem:$0x3FB0] =	sst s2  }
0xb: {  	[smem:$0x3FB1] =	sst s3  }
0xc: {  	[smem:$0x3FB2] =	sst s4  }
0xd: {  	[smem:$0x3FB3] =	sst s5  }
0xe: {  	[smem:$0x3FB4] =	sst s6  }
0xf: {  	[smem:$0x3FB5] =	sst s7  }
0x10: {  	[smem:$0x3FB6] =	sst s8  }
0x11: {  	[smem:$0x3FB7] =	sst s9;
	s0 =	simm.s32 @!p0 $0x0  }
0x12: {  	s1 =	sld [smem:$0x3F9D];
	s0 =	simm.s32 @p0 $0x1  }
0x13: {  	[smem:$0x3FB8] =	sst s0;
	s0 =	simm.s32 @!p1 $0x0  }
0x14: {  	s2 =	sld [smem:$0x3F9C];
	s0 =	simm.s32 @p1 $0x1  }
0x15: {  	[smem:$0x3FB9] =	sst s0;
	s0 =	simm.s32 @!p2 $0x0  }
0x16: {  	s3 =	sld [smem:$0x3FDB];
	s0 =	simm.s32 @p2 $0x1  }
0x17: {  	s4 =	simm.s32 $0x1BF5;
	[smem:$0x3FBB] =	sst s0  }
0x18: {  	s0 =	sld [smem:$0x3F9E];
	_ =	swait.ge [sflag:s4], $0x0  }
0x19: {  	s7 =	sld [smem:$0x3F9F]  }
0x1a: {  	s8 =	sadd.s32 $0xFFFFE003, lr  }
0x1b: {  	s9 =	sadd.s32 $0xFFFFFEF7, lr;
	s5 =	simm.s32 $0xFFFFFFFF;
	p2 =	slt.u32 s8, $0xFFFFF086  }
0x1c: {  	p1 =	slt.u32 s9, $0xF7A;
	s5 =	simm.s32 @!p2 $0x0  }
0x1d: {  	s5 =	simm.s32 @p1 $0x1;
	p0 =	seq.s32 s7, s2  }
0x1e: {  	s7 =	smul.u32 @!p0 $0xF7A, s2;
	p2 =	seq.s32 @!p0 s5, $0x0  }
0x1f: {  	s9 =	smul.u32 $0xF7A, s1;
	s8 =	simm.s32 @!p0 $0x1BF5;
	p2 =	por !p2, p0  }
0x20: {  	[sflag:s8] =	ssyncset.s32 @!p0 $0xFFFFF086;
	s6 =	sadd.s32 @!p0 s3, s7;
	s7 =	simm.s32 @!p0 $0x108  }
0x21: {  	s3 =	sadd.s32 s3, s9;
	s6 =	sadd.s32 @!p0 $0x88, s6;
	s7 =	simm.s32 @p2 $0x1082  }
0x22: {  	[simem:s7], [sflag:s8] =	dma.local @!p0 [hbm:s6], $0xF7A  }
0x23: {  	s9 =	sor.u32 $0xD0000000, s2;
	s6 =	simm.s32 $0x108;
	_ =	swait.ge @!p0 [sflag:s8], $0x0  }
0x24: {  	s3 =	sadd.s32 $0x88, s3;
	s6 =	simm.s32 @!p1 $0x1082;
	[sflag:s4] =	ssyncset.s32 $0xFFFFF086  }
0x25: {  	[simem:s6], [sflag:s4] =	dma.local [hbm:s3], $0xF7A  }
0x26: {  	[smem:$0x3F9F] =	sst s1;
	(tag) =	ssettag s2;
	_ =	strace s9  }
0x27: {  	s1 =	sld [smem:$0x3FAF]  }
0x28: {  	s2 =	sld [smem:$0x3FB0]  }
0x29: {  	s4 =	sld [smem:$0x3FB2]  }
0x2a: {  	p0 =	seq.s32 s5, $0x0;
	s5 =	sld [smem:$0x3FB3]  }
0x2b: {  	s6 =	sld [smem:$0x3FB4]  }
0x2c: {  	s7 =	sld [smem:$0x3FB5]  }
0x2d: {  	s3 =	simm.s32 $0x108;
	s8 =	sld [smem:$0x3FB6]  }
0x2e: {  	s3 =	simm.s32 @!p0 $0x1082;
	s9 =	sld [smem:$0x3FB7]  }
0x2f: {  	lr =	sadd.s32 s0, s3;
	s0 =	sld [smem:$0x3FAE]  }
0x30: {  	s3 =	sld [smem:$0x3FB1]  }
0x31: {  	[smem:$0x3FBA] =	sst s10  }
0x32: {  	s10 =	sld [smem:$0x3FB8];
	_ =	sdelay $0x3  }
0x33: {  	p0 =	seq.s32 s10, $0x1;
	s10 =	sld [smem:$0x3FBA];
	_ =	sdelay $0x3  }
0x34: {  	[smem:$0x3FBA] =	sst s10  }
0x35: {  	s10 =	sld [smem:$0x3FB9];
	_ =	sdelay $0x3  }
0x36: {  	p1 =	seq.s32 s10, $0x1;
	s10 =	sld [smem:$0x3FBA];
	_ =	sdelay $0x3  }
0x37: {  	[smem:$0x3FBA] =	sst s10  }
0x38: {  	s10 =	sld [smem:$0x3FBB]  }
0x39: {  	_ = 	snop;
	(pc) =	sbr.ind lr, $3  }
0x3a: {  	_ = 	snop  }
0x3b: {  	_ = 	snop  }
0x3c: {  	p2 =	seq.s32 s10, $0x1;
	s10 =	sld [smem:$0x3FBA]  }
0x3d: {  	_ =	shalt  }
0x3e: {  	_ =	shalt  }
0x3f: {  	_ =	shalt  }
0x40: {  	_ =	shalt  }
0x41: {  	_ =	shalt  }
0x42: {  	_ =	shalt  }
0x43: {  	_ =	shalt  }
0x44: {  	_ =	shalt  }
0x45: {  	_ =	shalt  }
0x46: {  	_ =	shalt  }
0x47: {  	_ =	shalt  }
0x48: {  	_ =	shalt  }
0x49: {  	_ =	shalt  }
0x4a: {  	_ =	shalt  }
0x4b: {  	_ =	shalt  }
0x4c: {  	_ =	shalt  }
0x4d: {  	_ =	shalt  }
0x4e: {  	_ =	shalt  }
0x4f: {  	_ =	shalt  }
0x50: {  	_ =	shalt  }
0x51: {  	_ =	shalt  }
0x52: {  	_ =	shalt  }
0x53: {  	_ =	shalt  }
0x54: {  	_ =	shalt  }
0x55: {  	_ =	shalt  }
0x56: {  	_ =	shalt  }
0x57: {  	_ =	shalt  }
0x58: {  	_ =	shalt  }
0x59: {  	_ =	shalt  }
0x5a: {  	_ =	shalt  }
0x5b: {  	_ =	shalt  }
0x5c: {  	_ =	shalt  }
0x5d: {  	_ =	shalt  }
0x5e: {  	_ =	shalt  }
0x5f: {  	_ =	shalt  }
0x60: {  	_ =	shalt  }
0x61: {  	_ =	shalt  }
0x62: {  	_ =	shalt  }
0x63: {  	_ =	shalt  }
0x64: {  	_ =	shalt  }
0x65: {  	_ =	shalt  }
0x66: {  	_ =	shalt  }
0x67: {  	_ =	shalt  }
0x68: {  	_ =	shalt  }
0x69: {  	_ =	shalt  }
0x6a: {  	_ =	shalt  }
0x6b: {  	_ =	shalt  }
0x6c: {  	_ =	shalt  }
0x6d: {  	_ =	shalt  }
0x6e: {  	_ =	shalt  }
0x6f: {  	_ =	shalt  }
0x70: {  	_ =	shalt  }
0x71: {  	_ =	shalt  }
0x72: {  	_ =	shalt  }
0x73: {  	_ =	shalt  }
0x74: {  	_ =	shalt  }
0x75: {  	_ =	shalt  }
0x76: {  	_ =	shalt  }
0x77: {  	_ =	shalt  }
0x78: {  	_ =	shalt  }
0x79: {  	_ =	shalt  }
0x7a: {  	_ =	shalt  }
0x7b: {  	_ =	shalt  }
0x7c: {  	_ =	shalt  }
0x7d: {  	_ =	shalt  }
0x7e: {  	_ =	shalt  }
0x7f: {  	_ =	shalt  }
0x80: {  	_ =	shalt  }
0x81: {  	_ =	shalt  }
0x82: {  	_ =	shalt  }
0x83: {  	_ =	shalt  }
0x84: {  	_ =	shalt  }
0x85: {  	_ =	shalt  }
0x86: {  	_ =	shalt  }
0x87: {  	_ =	shalt  }
.Lfunc_end0:
.L_simem_size_0:
called_computation.3_lowered:
.L_overlay_start_0:
0x88: {  	s2 =	sld [smem:$0x3FD9]  }
0x89: {  	s3 =	sld [smem:$0x3FFE];
	_ =	sdelay $0x1  }
0x8a: {  	s1 =	srdreg.scid  }
0x8b: {  	s0 =	sand.u32 $0x1, s1  }
0x8c: {  	s15 =	sshll.u32 s0, $0xA;
	s2 =	sadd.s32 s3, s2  }
0x8d: {  	s2 =	sadd.s32 s2, s15  }
0x8e: {  	[smem:$0x3FC6] =	sst s2  }
0x8f: {  	_ = 	snop  }
0x90: {  	s2 =	sld [smem:$0x3FD0];
	_ =	sdelay $0x2  }
0x91: {  	s16 =	simm.s32 $0xB;
	s4 =	simm.s32 $0x10  }
0x92: {  	[smem:s4], [sflag:s16] =	dma.local [hbm:s2], $0x1  }
0x93: {  	_ =	swait.eq [sflag:s16], $0x1  }
0x94: {  	[sflag:s16] =	ssyncset.done $0x0  }
0x95: {  	[sflag:s16] =	ssyncadd.s32 $0xFFFFFFFF  }
0x96: {  	s17 =	sld [smem:$0x10];
	(tm) =	ssettm $0x1  }
0x97: {  	s18 =	sld [smem:$0x3FFB];
	_ =	sdelay $0x3  }
0x98: {  	_ =	strace s18  }
0x99: {  	s2 =	sld [smem:$0x3FFC];
	_ =	sdelay $0x3  }
0x9a: {  	_ =	strace s2  }
0x9b: {  	s2 =	sld [smem:$0x3FFD];
	_ =	sdelay $0x3  }
0x9c: {  	_ =	strace s2  }
0x9d: {  	_ =	strace $0x8FFFFFFF  }
0x9e: {  	s19 =	sld [smem:$0x3FDB];
	_ =	sdelay $0x1  }
0x9f: {  	s20 =	simm.s32 $_scs_section_size  }
0xa0: {  	s5 =	simm.s32 $_size__tile_overlayer_lowered;
	s6 =	simm.s32 $_tile_overlayer_lowered  }
0xa1: {  	s7 =	simm.s32 $0x1BFF;
	s21 =	sshll.u32 s6, $0x1;
	s4 =	sadd.s32 s20, s19  }
0xa2: {  	s22 =	simm.s32 $0x0;
	s5 =	sshll.u32 s5, $0x1;
	s6 =	sadd.s32 s21, s4  }
0xa3: {  	[timem:s22], [sflag:s7] =	dma.local [hbm:s6], s5  }
0xa4: {  	_ =	swait.ge [sflag:s7], s5  }
0xa5: {  	s5 =	ssub.s32 $0x0, s5;
	[sflag:s7] =	ssyncset.done $0x0  }
0xa6: {  	[sflag:s7] =	ssyncadd.s32 s5;
	_ =	sdelay $0x1  }
0xa7: {  	s23 =	simm.s32 $0x1B8B  }
0xa8: {  	_ =	swait.ge [sflag:s23], $0x1  }
0xa9: {  	[sflag:s23] =	ssyncset.done $0x0  }
0xaa: {  	[sflag:s23] =	ssyncadd.s32 $0xFFFFFFFF  }
0xab: {  	s5 =	sld [smem:$0x0]  }
0xac: {  	s6 =	sand.u32 $0xFFFFFFFE, s1  }
0xad: {  	p0 =	sne.s32 s1, s6  }
0xae: {  	s6 =	sshll.u32 @p0 s6, $0xE  }
0xaf: {  	s6 =	sadd.s32 @p0 $0x11B8D, s6;
	s7 =	sshll.u32 @p0 s5, $0x11  }
0xb0: {  	s6 =	sor.u32 @p0 s7, s6  }
0xb1: {  	[sflag:s6] =	ssyncadd.remote.s32 @p0 $0x1;
	_ =	sdelay $0x1  }
0xb2: {  	s6 =	simm.s32 @p0 $0x1B8D  }
0xb3: {  	_ =	swait.eq @p0 [sflag:s6], $0x1  }
0xb4: {  	[sflag:s6] =	ssyncadd.s32 @p0 $0xFFFFFFFF  }
0xb5: {  	s7 =	sshll.u32 @!p0 s1, $0xE  }
0xb6: {  	s7 =	sor.u32 @!p0 $0x4000, s7;
	s6 =	simm.s32 @!p0 $0x1B8D  }
0xb7: {  	s5 =	sshll.u32 @!p0 s5, $0x11;
	s7 =	sadd.s32 @!p0 $0x11B8D, s7;
	_ =	swait.eq @!p0 [sflag:s6], $0x1  }
0xb8: {  	s5 =	sor.u32 @!p0 s5, s7;
	[sflag:s6] =	ssyncadd.s32 @!p0 $0xFFFFFFFF  }
0xb9: {  	s25 =	simm.s32 $0x1B8E;
	s24 =	sld [smem:$0x3FFE];
	[sflag:s5] =	ssyncadd.remote.s32 @!p0 $0x1  }
0xba: {  	s26 =	simm.s32 $execute0_lowered;
	[smem:$0x3FD2] =	sst s25  }
0xbb: {  	s6 =	sshll.u32 s26, $0x1;
	_ =	strace $0x80000049;
	[dreg:$0x1] =	wrdreg $0xFFFFFFFF  }
0xbc: {  	s28 =	simm.s32 $_size_execute0_lowered;
	s4 =	sadd.s32 s4, s6;
	[dreg:$0x0] =	wrdreg $0x0  }
0xbd: {  	s6 =	sshll.u32 s28, $0x1;
	[dreg:$0x2] =	wrdreg s4  }
0xbe: {  	[dreg:$0x3] =	wrdreg s6  }
0xbf: {  	[dreg:$0x4] =	wrdreg $0xC0  }
0xc0: {  	_ =	task [dreg:s22], $0x5FFFF  }
0xc1: {  	[dreg:$0x1] =	wrdreg $0xFFFFFFFF  }
0xc2: {  	[dreg:$0x0] =	wrdreg $0x60  }
0xc3: {  	[dreg:$0x2] =	wrdreg s24  }
0xc4: {  	[dreg:$0x3] =	wrdreg s17  }
0xc5: {  	[dreg:$0x4] =	wrdreg $0x9  }
0xc6: {  	_ =	task.clear_ibuf [dreg:s22], $0x5FFFF;
	_ =	strace $0x90000049  }
0xc7: {  	s29 =	simm.s32 $0x9;
	_ =	strace $0x8000004B  }
0xc8: {  	_ =	swait.ge [sflag:s29], $0x1  }
0xc9: {  	[sflag:s29] =	ssyncadd.s32 $0xFFFFFFFF  }
0xca: {  	_ =	strace $0x9000004B  }
0xcb: {  	_ =	sfence  }
0xcc: {  	s30 =	sld [smem:$0x0];
	_ =	sdelay $0x2  }
0xcd: {  	s31 =	sshll.u32 s1, $0xD;
	s1 =	sshrl.u32 s1, $0x2  }
0xce: {  	s4 =	sand.u32 $0x4000, s31;
	s1 =	sadd.s32 s1, s30  }
0xcf: {  	s0 =	sor.u32 s4, s0;
	s1 =	sshll.u32 s1, $0x11  }
0xd0: {  	s0 =	sor.u32 s1, s0  }
0xd1: {  	s0 =	sadd.s32 $0x8F2B, s0  }
0xd2: {  	[sflag:s0] =	ssyncadd.remote.s32 $0x1  }
0xd3: {  	_ =	sfence.sel $0xFFFF  }
0xd4: {  	[dreg:$0x0] =	wrdreg $0xFFFFFFFF;
	(pc) =	sbr.abs _section_cstart, $3  }
0xd5: {  	[dreg:$0x1] =	wrdreg $0xFFFFFFFF  }
0xd6: {  	_ =	task.clear_ibuf [dreg:s22], $0x2FFFF;
	_ =	strace $0x9FFFFFFF  }
0xd7: {  	(tm) =	ssettm $0x7FFFFFFF  }
tec
execute0_lowered:
.L_overlay_start_1:
0x0: {  	(tag) =	ssettag $0x1  }
0x1: {  	s8 =	rddreg [dreg:$0x0]  }
0x2: {  	s2 =	rddreg [dreg:$0x1]  }
0x3: {  	s0 =	rddreg [dreg:$0x2];
	s1 =	stileid.u32  }
0x4: {  	s3 =	srdreg.scid;
	_ =	strace $0x8000004A;
	s4 =	simm.s32 $0x1  }
0x5: {  	s7 =	simm.s32 $0x1;
	s9 =	simm.s32 $0x1;
	s10 =	simm.s32 $0x3  }
0x6: {  	s13 =	simm.s32 $0x0;
	s5 =	sand.u32 $0x1, s3;
	s6 =	sshll.u32 s1, $0x1  }
0x7: {  	s12 =	simm.s32 $0x0;
	s3 =	sadd.s32 $0x1E00, s8;
	s5 =	sor.u32 s6, s5  }
.Ltmp0:
0x8: {  	[sflag:s4] =	ssyncpa.u1 $0x0;
	p0 =	slt.u32 s5, $0x13;
	(pc) =	sbr.rel .LBB2_1-.Ltmp0, $4  }
0x9: {  	s6 =	simm.s32 $0x2;
	s7 =	simm.s32 @!p0 $0x0;
	p0 =	sne.s32 s5, $0x12  }
0xa: {  	[sflag:s6] =	ssyncpa.u1 $0x0;
	s5 =	smul.u32 $0x190, s5;
	s9 =	simm.s32 @!p0 $0x0  }
0xb: {  	s8 =	sadd.s32 $0x4600, s8;
	[sflag:s10] =	ssyncpa.u1 $0x0;
	s7 =	sadd.s32 s9, s7  }
0xc: {  	vm0 =	vmmov $0xffff;
	s10 =	simm.s32 $0x0;
	s11 =	smov.u32 s5;
	s9 =	sadd.s32 $0x1, s7  }
.LBB2_4:
0xd: {  	v2 =	vnsel vm1, $0x0, v2  }
0xe: {  	vm1 =	vgt.s32 v0, $0x0;
	v2 =	vmin.u32 v2, $0x4E1F  }
0xf: {  	v0 =	vnsel vm1, $0x0, v0  }
0x10: {  	v0 =	vmin.u32 v0, $0x4E1F  }
0x11: {  	[tilespmem:s18], [sflag:$0x1] =	stream.indirect_vreg.gather [hbm4b:s3+s10], $0x1, v1, vm0, $0x4038;
	[tilespmem:$0x640] =	vst v63  }
0x12: {  	(ifvalue) =	ssetifvalue $0x7FFFFFFF  }
0x13: {  	[tilespmem:s15], [sflag:$0x1] =	stream.indirect_vreg.gather [hbm4b:s3+s10], $0x1, v2, vm0, $0x4038;
	[tilespmem:$0x640] =	vst v63  }
0x14: {  	s29 =	sadd.s32 $0x10, s15;
	(ifvalue) =	ssetifvalue $0x7FFFFFFF  }
0x15: {  	[tilespmem:s29], [sflag:$0x1] =	stream.indirect_vreg.gather [hbm4b:s3+s10], $0x1, v0, vm0, $0x4038;
	[tilespmem:$0x640] =	vst v63  }
0x16: {  	_ =	swait.ge [sflag:s4], $0x190  }
0x17: {  	s30 =	sshrl.u32 s13, $0x3;
	[sflag:s4] =	ssyncset.done $0x0  }
0x18: {  	s31 =	sand.u32 $0x7, s13;
	s15 =	sadd.s32 s8, s30;
	[sflag:s4] =	ssyncadd.s32 $0xFFFFFE70  }
0x19: {  	[hbm4b:s15+s31] =	stream.linear.scatter [tilespmem:s14], [sflag:$0x3], $0x190, $0x38;
	[tilespmem:$0x640] =	vst v63  }
.LBB2_5:
0x1a: {  	s15 =	sadd.s32 $0x3200, s11  }
0x1b: {  	p1 =	sgt.s32 s15, $0x4E1F  }
0x1c: {  	s15 =	smov.u32 @p1 s5;
	p1 =	sne.s32 s12, s9  }
.Ltmp1:
0x1d: {  	p0 =	slt.u32 s12, $0x2;
	(pc) =	sbr.rel @!p1 .LBB2_6-.Ltmp1, $4  }
0x1e: {  	s14 =	simm.s32 @!p0 $0x3  }
0x1f: {  	_ =	swait.ge @!p0 [sflag:s14], $0x190  }
0x20: {  	s16 =	sadd.s32 $0x1, s12;
	s13 =	smov.u32 s11;
	[sflag:s14] =	ssyncset.done @!p0 $0x0  }
0x21: {  	s12 =	smov.u32 s16;
	s11 =	smov.u32 s15;
	[sflag:s14] =	ssyncadd.s32 @!p0 $0xFFFFFE70  }
.LBB2_1:
0x22: {  	p0 =	sge.u32 s12, s7  }
0x23: {  	s14 =	sxor.u32 @!p0 $0x1, s12  }
0x24: {  	s14 =	smul.u32 @!p0 $0x640, s14  }
0x25: {  	s31 =	sadd.s32 $0xFFFFFFFF, s12;
	s15 =	sshrl.u32 @!p0 s11, $0x3  }
0x26: {  	s16 =	sand.u32 @!p0 $0x7, s11;
	s15 =	sadd.s32 @!p0 s2, s15;
	s14 =	sshra.s32 @!p0 s14, $0x2  }
0x27: {  	[tilespmem:s14], [sflag:$0x2] =	stream.linear.gather @!p0 [hbm4b:s15+s16], $0x190, $0x38;
	[tilespmem:$0x640] =	vst v63  }
0x28: {  	p0 =	sge.u32 s31, s7  }
.Ltmp2:
0x29: {  	_ = 	snop;
	(pc) =	sbr.rel @p0 .LBB2_5-.Ltmp2, $1  }
0x2a: {  	_ =	sdelay $0x3  }
0x2b: {  	s14 =	sand.u32 $0x1, s12  }
0x2c: {  	_ =	swait.ge [sflag:s6], $0x190;
	p0 =	seq.s32 s14, $0x1;
	s14 =	simm.s32 $0x190  }
0x2d: {  	[sflag:s6] =	ssyncset.done $0x0;
	s14 =	simm.s32 @!p0 $0x0  }
0x2e: {  	[sflag:s6] =	ssyncadd.s32 $0xFFFFFE70;
	(ifvalue) =	ssetifvalue $0x7FFFFFFF;
	v0 =	vld.msk [tilespmem:s14+$0x0 ss:$0x1], $0xffff;
	_ =	sdelay $0x4  }
0x2f: {  	s15 =	sadd.s32 $0x10, s14;
	vm1 =	vgt.s32 v0, $0x0  }
0x30: {  	v2 =	vld.msk [tilespmem:s15+$0x0 ss:$0x1], $0xffff;
	v1 =	vnsel vm1, $0x0, v0  }
0x31: {  	v1 =	vmin.u32 v1, $0x4E1F;
	_ =	sdelay $0x2  }
0x32: {  	s17 =	simm.s32 $0x20;
	s14 =	sadd.s32 $0x320, s14;
	s16 =	sadd.s32 $0x10, s15  }
0x33: {  	s15 =	sadd.s32 $0x10, s14;
	s18 =	smov.u32 s14;
	v0 =	vld.msk [tilespmem:s16+$0x0 ss:$0x1], $0xffff;
	vm1 =	vgt.s32 v2, $0x0;
	(ifvalue) =	ssetifvalue $0x7FFFFFFF  }
.LBB2_3:
0x34: {  	[tilespmem:s18], [sflag:$0x1] =	stream.indirect_vreg.gather [hbm4b:s3+s10], $0x1, v1, vm0, $0x4038;
	[tilespmem:$0x640] =	vst v63  }
0x35: {  	s17 =	sadd.s32 $0x10, s17  }
0x36: {  	v2 =	vnsel vm1, $0x0, v2;
	p0 =	slt.u32 s17, $0x180  }
.Ltmp3:
0x37: {  	s18 =	smov.u32 s15;
	v1 =	vmin.u32 v2, $0x4E1F;
	(pc) =	sbr.rel @p0 .LBB2_3-.Ltmp3, $3  }
0x38: {  	_ =	sdelay $0x1  }
0x39: {  	s16 =	sadd.s32 $0x10, s16  }
0x3a: {  	vm1 =	vgt.s32 v0, $0x0;
	s15 =	sadd.s32 $0x10, s15;
	v2 =	vmov v0;
	(ifvalue) =	ssetifvalue $0x7FFFFFFF;
	v0 =	vld.msk [tilespmem:s16+$0x0 ss:$0x1], $0xffff  }
.Ltmp4:
0x3b: {  	_ = 	snop;
	(pc) =	sbr.rel .LBB2_4-.Ltmp4, $1  }
0x3c: {  	_ =	sdelay $0x3  }
.LBB2_6:
0x3d: {  	_ =	sfence.sel $0x180000  }
0x3e: {  	s2 =	simm.s32 $0x2;
	[bflag:$0x0] =	sbarrier.arrive $0xFFFF  }
0x3f: {  	s30 =	simm.s32 $0x3;
	[sflag:s2] =	ssyncpa.u1 $0x1  }
0x40: {  	s31 =	simm.s32 $0x1;
	[sflag:s30] =	ssyncpa.u1 $0x1  }
0x41: {  	[sflag:s31] =	ssyncpa.u1 $0x1  }
0x42: {  	p0 =	sne.s32 s1, $0x0;
	_ =	strace $0x9000004A  }
0x43: {  	s0 =	sadd.s32 @!p0 $0x100000, s0;
	[bflag:$0x2] =	sbarrier.arrive $0xFFFF  }
0x44: {  	[sflag:s0] =	ssyncadd.tile.s32 @!p0 $0x1;
	_ =	shalt  }
.Lfunc_end2:
_tile_overlayer_lowered:
.L_overlay_start_2:
0x45: {  	(tag) =	ssettag $0x2  }
0x46: {  	s0 =	rddreg [dreg:$0x0];
	s2 =	stileid.u32  }
0x47: {  	s1 =	rddreg [dreg:$0x1];
	p0 =	sne.s32 s2, $0x0  }
0x48: {  	s3 =	rddreg [dreg:$0x2];
	[bflag:$0x3] =	sbarrier.arrive $0xFFFF;
	s2 =	simm.s32 @!p0 $0x1C01  }
0x49: {  	[timem:s3], [sflag:s2] =	dma.local @!p0 [hbm:s0], s1  }
0x4a: {  	s0 =	simm.s32 @!p0 $0x1  }
0x4b: {  	_ =	swait.ge @!p0 [sflag:s0], s1  }
0x4c: {  	s1 =	ssub.s32 @!p0 $0x0, s1;
	[sflag:s0] =	ssyncset.done @!p0 $0x0  }
0x4d: {  	[sflag:s0] =	ssyncadd.s32 @!p0 s1  }
0x4e: {  	[bflag:$0x3] =	sbarrier.arrive $0xFFFF  }
0x4f: {  	_ =	shalt  }

// kernel: gather_offload_async_start.4
scs
__scs_entry_jumppad:
0x0: {  	(pc) =	sbr.rel $0x88, $3  }
0x1: {  	(tag) =	ssettag $0x0;
	lr =	simm.s32 $0x1  }
0x2: {  	[smem:$0x3F9F] =	sst lr;
	_ =	strace $0xD0000000  }
0x3: {  	_ = 	snop  }
0x4: {  	_ = 	snop  }
0x5: {  	_ = 	snop  }
0x6: {  	_ = 	snop  }
0x7: {  	_ = 	snop  }
__scs_overlays_trampoline_lowered:
0x8: {  	[smem:$0x3FAE] =	sst s0  }
0x9: {  	[smem:$0x3FAF] =	sst s1  }
0xa: {  	[smem:$0x3FB0] =	sst s2  }
0xb: {  	[smem:$0x3FB1] =	sst s3  }
0xc: {  	[smem:$0x3FB2] =	sst s4  }
0xd: {  	[smem:$0x3FB3] =	sst s5  }
0xe: {  	[smem:$0x3FB4] =	sst s6  }
0xf: {  	[smem:$0x3FB5] =	sst s7  }
0x10: {  	[smem:$0x3FB6] =	sst s8  }
0x11: {  	[smem:$0x3FB7] =	sst s9;
	s0 =	simm.s32 @!p0 $0x0  }
0x12: {  	s1 =	sld [smem:$0x3F9D];
	s0 =	simm.s32 @p0 $0x1  }
0x13: {  	[smem:$0x3FB8] =	sst s0;
	s0 =	simm.s32 @!p1 $0x0  }
0x14: {  	s2 =	sld [smem:$0x3F9C];
	s0 =	simm.s32 @p1 $0x1  }
0x15: {  	[smem:$0x3FB9] =	sst s0;
	s0 =	simm.s32 @!p2 $0x0  }
0x16: {  	s3 =	sld [smem:$0x3FDB];
	s0 =	simm.s32 @p2 $0x1  }
0x17: {  	s4 =	simm.s32 $0x1BF5;
	[smem:$0x3FBB] =	sst s0  }
0x18: {  	s0 =	sld [smem:$0x3F9E];
	_ =	swait.ge [sflag:s4], $0x0  }
0x19: {  	s7 =	sld [smem:$0x3F9F]  }
0x1a: {  	s8 =	sadd.s32 $0xFFFFE003, lr  }
0x1b: {  	s9 =	sadd.s32 $0xFFFFFEF7, lr;
	s5 =	simm.s32 $0xFFFFFFFF;
	p2 =	slt.u32 s8, $0xFFFFF086  }
0x1c: {  	p1 =	slt.u32 s9, $0xF7A;
	s5 =	simm.s32 @!p2 $0x0  }
0x1d: {  	s5 =	simm.s32 @p1 $0x1;
	p0 =	seq.s32 s7, s2  }
0x1e: {  	s7 =	smul.u32 @!p0 $0xF7A, s2;
	p2 =	seq.s32 @!p0 s5, $0x0  }
0x1f: {  	s9 =	smul.u32 $0xF7A, s1;
	s8 =	simm.s32 @!p0 $0x1BF5;
	p2 =	por !p2, p0  }
0x20: {  	[sflag:s8] =	ssyncset.s32 @!p0 $0xFFFFF086;
	s6 =	sadd.s32 @!p0 s3, s7;
	s7 =	simm.s32 @!p0 $0x108  }
0x21: {  	s3 =	sadd.s32 s3, s9;
	s6 =	sadd.s32 @!p0 $0x88, s6;
	s7 =	simm.s32 @p2 $0x1082  }
0x22: {  	[simem:s7], [sflag:s8] =	dma.local @!p0 [hbm:s6], $0xF7A  }
0x23: {  	s9 =	sor.u32 $0xD0000000, s2;
	s6 =	simm.s32 $0x108;
	_ =	swait.ge @!p0 [sflag:s8], $0x0  }
0x24: {  	s3 =	sadd.s32 $0x88, s3;
	s6 =	simm.s32 @!p1 $0x1082;
	[sflag:s4] =	ssyncset.s32 $0xFFFFF086  }
0x25: {  	[simem:s6], [sflag:s4] =	dma.local [hbm:s3], $0xF7A  }
0x26: {  	[smem:$0x3F9F] =	sst s1;
	(tag) =	ssettag s2;
	_ =	strace s9  }
0x27: {  	s1 =	sld [smem:$0x3FAF]  }
0x28: {  	s2 =	sld [smem:$0x3FB0]  }
0x29: {  	s4 =	sld [smem:$0x3FB2]  }
0x2a: {  	p0 =	seq.s32 s5, $0x0;
	s5 =	sld [smem:$0x3FB3]  }
0x2b: {  	s6 =	sld [smem:$0x3FB4]  }
0x2c: {  	s7 =	sld [smem:$0x3FB5]  }
0x2d: {  	s3 =	simm.s32 $0x108;
	s8 =	sld [smem:$0x3FB6]  }
0x2e: {  	s3 =	simm.s32 @!p0 $0x1082;
	s9 =	sld [smem:$0x3FB7]  }
0x2f: {  	lr =	sadd.s32 s0, s3;
	s0 =	sld [smem:$0x3FAE]  }
0x30: {  	s3 =	sld [smem:$0x3FB1]  }
0x31: {  	[smem:$0x3FBA] =	sst s10  }
0x32: {  	s10 =	sld [smem:$0x3FB8];
	_ =	sdelay $0x3  }
0x33: {  	p0 =	seq.s32 s10, $0x1;
	s10 =	sld [smem:$0x3FBA];
	_ =	sdelay $0x3  }
0x34: {  	[smem:$0x3FBA] =	sst s10  }
0x35: {  	s10 =	sld [smem:$0x3FB9];
	_ =	sdelay $0x3  }
0x36: {  	p1 =	seq.s32 s10, $0x1;
	s10 =	sld [smem:$0x3FBA];
	_ =	sdelay $0x3  }
0x37: {  	[smem:$0x3FBA] =	sst s10  }
0x38: {  	s10 =	sld [smem:$0x3FBB]  }
0x39: {  	_ = 	snop;
	(pc) =	sbr.ind lr, $3  }
0x3a: {  	_ = 	snop  }
0x3b: {  	_ = 	snop  }
0x3c: {  	p2 =	seq.s32 s10, $0x1;
	s10 =	sld [smem:$0x3FBA]  }
0x3d: {  	_ =	shalt  }
0x3e: {  	_ =	shalt  }
0x3f: {  	_ =	shalt  }
0x40: {  	_ =	shalt  }
0x41: {  	_ =	shalt  }
0x42: {  	_ =	shalt  }
0x43: {  	_ =	shalt  }
0x44: {  	_ =	shalt  }
0x45: {  	_ =	shalt  }
0x46: {  	_ =	shalt  }
0x47: {  	_ =	shalt  }
0x48: {  	_ =	shalt  }
0x49: {  	_ =	shalt  }
0x4a: {  	_ =	shalt  }
0x4b: {  	_ =	shalt  }
0x4c: {  	_ =	shalt  }
0x4d: {  	_ =	shalt  }
0x4e: {  	_ =	shalt  }
0x4f: {  	_ =	shalt  }
0x50: {  	_ =	shalt  }
0x51: {  	_ =	shalt  }
0x52: {  	_ =	shalt  }
0x53: {  	_ =	shalt  }
0x54: {  	_ =	shalt  }
0x55: {  	_ =	shalt  }
0x56: {  	_ =	shalt  }
0x57: {  	_ =	shalt  }
0x58: {  	_ =	shalt  }
0x59: {  	_ =	shalt  }
0x5a: {  	_ =	shalt  }
0x5b: {  	_ =	shalt  }
0x5c: {  	_ =	shalt  }
0x5d: {  	_ =	shalt  }
0x5e: {  	_ =	shalt  }
0x5f: {  	_ =	shalt  }
0x60: {  	_ =	shalt  }
0x61: {  	_ =	shalt  }
0x62: {  	_ =	shalt  }
0x63: {  	_ =	shalt  }
0x64: {  	_ =	shalt  }
0x65: {  	_ =	shalt  }
0x66: {  	_ =	shalt  }
0x67: {  	_ =	shalt  }
0x68: {  	_ =	shalt  }
0x69: {  	_ =	shalt  }
0x6a: {  	_ =	shalt  }
0x6b: {  	_ =	shalt  }
0x6c: {  	_ =	shalt  }
0x6d: {  	_ =	shalt  }
0x6e: {  	_ =	shalt  }
0x6f: {  	_ =	shalt  }
0x70: {  	_ =	shalt  }
0x71: {  	_ =	shalt  }
0x72: {  	_ =	shalt  }
0x73: {  	_ =	shalt  }
0x74: {  	_ =	shalt  }
0x75: {  	_ =	shalt  }
0x76: {  	_ =	shalt  }
0x77: {  	_ =	shalt  }
0x78: {  	_ =	shalt  }
0x79: {  	_ =	shalt  }
0x7a: {  	_ =	shalt  }
0x7b: {  	_ =	shalt  }
0x7c: {  	_ =	shalt  }
0x7d: {  	_ =	shalt  }
0x7e: {  	_ =	shalt  }
0x7f: {  	_ =	shalt  }
0x80: {  	_ =	shalt  }
0x81: {  	_ =	shalt  }
0x82: {  	_ =	shalt  }
0x83: {  	_ =	shalt  }
0x84: {  	_ =	shalt  }
0x85: {  	_ =	shalt  }
0x86: {  	_ =	shalt  }
0x87: {  	_ =	shalt  }
.Lfunc_end0:
.L_simem_size_0:
called_computation.4_lowered:
.L_overlay_start_0:
0x88: {  	s2 =	sld [smem:$0x3FD9]  }
0x89: {  	s3 =	sld [smem:$0x3FFE];
	_ =	sdelay $0x1  }
0x8a: {  	s1 =	srdreg.scid  }
0x8b: {  	s0 =	sand.u32 $0x1, s1  }
0x8c: {  	s14 =	sshll.u32 s0, $0xA;
	s2 =	sadd.s32 s3, s2  }
0x8d: {  	s2 =	sadd.s32 s2, s14  }
0x8e: {  	[smem:$0x3FC6] =	sst s2  }
0x8f: {  	_ = 	snop  }
0x90: {  	s2 =	sld [smem:$0x3FD0];
	_ =	sdelay $0x2  }
0x91: {  	s15 =	simm.s32 $0xB;
	s4 =	simm.s32 $0x10  }
0x92: {  	[smem:s4], [sflag:s15] =	dma.local [hbm:s2], $0x1  }
0x93: {  	_ =	swait.eq [sflag:s15], $0x1  }
0x94: {  	[sflag:s15] =	ssyncset.done $0x0  }
0x95: {  	[sflag:s15] =	ssyncadd.s32 $0xFFFFFFFF  }
0x96: {  	s16 =	sld [smem:$0x10];
	(tm) =	ssettm $0x1  }
0x97: {  	s17 =	sld [smem:$0x3FFB];
	_ =	sdelay $0x3  }
0x98: {  	_ =	strace s17  }
0x99: {  	s3 =	sld [smem:$0x3FFC];
	_ =	sdelay $0x3  }
0x9a: {  	_ =	strace s3  }
0x9b: {  	s3 =	sld [smem:$0x3FFD];
	_ =	sdelay $0x3  }
0x9c: {  	_ =	strace s3  }
0x9d: {  	_ =	strace $0x8FFFFFFF  }
0x9e: {  	s18 =	sld [smem:$0x3FDB];
	_ =	sdelay $0x1  }
0x9f: {  	s19 =	simm.s32 $_scs_section_size  }
0xa0: {  	s5 =	simm.s32 $_size__tile_overlayer_lowered;
	s6 =	simm.s32 $_tile_overlayer_lowered  }
0xa1: {  	s22 =	simm.s32 $0x1BFF;
	s21 =	sshll.u32 s6, $0x1;
	s3 =	sadd.s32 s19, s18  }
0xa2: {  	s7 =	simm.s32 $0x0;
	s20 =	sshll.u32 s5, $0x1;
	s5 =	sadd.s32 s21, s3  }
0xa3: {  	[timem:s7], [sflag:s22] =	dma.local [hbm:s5], s20  }
0xa4: {  	_ =	swait.ge [sflag:s22], s20  }
0xa5: {  	s4 =	ssub.s32 $0x0, s20;
	[sflag:s22] =	ssyncset.done $0x0  }
0xa6: {  	[sflag:s22] =	ssyncadd.s32 s4;
	_ =	sdelay $0x1  }
0xa7: {  	s23 =	simm.s32 $0x1B8B  }
0xa8: {  	_ =	swait.ge [sflag:s23], $0x1  }
0xa9: {  	[sflag:s23] =	ssyncset.done $0x0  }
0xaa: {  	s25 =	simm.s32 $0x1B8E;
	s24 =	sld [smem:$0x3FFE];
	[sflag:s23] =	ssyncadd.s32 $0xFFFFFFFF  }
0xab: {  	s26 =	simm.s32 $execute0_lowered;
	[smem:$0x3FD2] =	sst s25  }
0xac: {  	s5 =	sshll.u32 s26, $0x1;
	_ =	strace $0x80000046;
	[dreg:$0x1] =	wrdreg $0xFFFFFFFF  }
0xad: {  	s28 =	simm.s32 $_size_execute0_lowered;
	s3 =	sadd.s32 s3, s5;
	[dreg:$0x0] =	wrdreg $0x0  }
0xae: {  	s5 =	sshll.u32 s28, $0x1;
	[dreg:$0x2] =	wrdreg s3  }
0xaf: {  	[dreg:$0x3] =	wrdreg s5  }
0xb0: {  	[dreg:$0x4] =	wrdreg $0xC0  }
0xb1: {  	_ =	task [dreg:s7], $0x5FFFF  }
0xb2: {  	[dreg:$0x1] =	wrdreg $0xFFFFFFFF  }
0xb3: {  	[dreg:$0x0] =	wrdreg $0x60  }
0xb4: {  	[dreg:$0x2] =	wrdreg s24  }
0xb5: {  	[dreg:$0x3] =	wrdreg s16  }
0xb6: {  	[dreg:$0x4] =	wrdreg $0xA  }
0xb7: {  	_ =	task.clear_ibuf [dreg:s7], $0x5FFFF;
	_ =	strace $0x90000046  }
0xb8: {  	s29 =	simm.s32 $0xA;
	_ =	strace $0x80000048  }
0xb9: {  	_ =	swait.ge [sflag:s29], $0x1  }
0xba: {  	[sflag:s29] =	ssyncadd.s32 $0xFFFFFFFF  }
0xbb: {  	_ =	strace $0x90000048  }
0xbc: {  	_ =	sfence  }
0xbd: {  	s30 =	sld [smem:$0x0];
	_ =	sdelay $0x2  }
0xbe: {  	s31 =	sshll.u32 s1, $0xD;
	s1 =	sshrl.u32 s1, $0x2  }
0xbf: {  	s3 =	sand.u32 $0x4000, s31;
	s1 =	sadd.s32 s1, s30  }
0xc0: {  	s0 =	sor.u32 s3, s0;
	s1 =	sshll.u32 s1, $0x11  }
0xc1: {  	s0 =	sor.u32 s1, s0  }
0xc2: {  	s0 =	sadd.s32 $0x8F2B, s0  }
0xc3: {  	[sflag:s0] =	ssyncadd.remote.s32 $0x1  }
0xc4: {  	_ =	sfence.sel $0xFFFF  }
0xc5: {  	[dreg:$0x0] =	wrdreg $0xFFFFFFFF;
	(pc) =	sbr.abs _section_cstart, $3  }
0xc6: {  	[dreg:$0x1] =	wrdreg $0xFFFFFFFF  }
0xc7: {  	_ =	task.clear_ibuf [dreg:s7], $0x2FFFF;
	_ =	strace $0x9FFFFFFF  }
0xc8: {  	(tm) =	ssettm $0x7FFFFFFF  }
0xc9: {  	_ =	shalt  }
tec
execute0_lowered:
.L_overlay_start_1:
0x0: {  	(tag) =	ssettag $0x1  }
0x1: {  	s8 =	rddreg [dreg:$0x0]  }
0x2: {  	s2 =	rddreg [dreg:$0x1]  }
0x3: {  	s0 =	rddreg [dreg:$0x2];
	s1 =	stileid.u32  }
0x4: {  	s3 =	srdreg.scid;
	_ =	strace $0x80000047;
	s4 =	simm.s32 $0x1  }
0x5: {  	s7 =	simm.s32 $0x1;
	s9 =	simm.s32 $0x1;
	s10 =	simm.s32 $0x3  }
0x6: {  	s13 =	simm.s32 $0x0;
	s5 =	sand.u32 $0x1, s3;
	s6 =	sshll.u32 s1, $0x1  }
0x7: {  	s12 =	simm.s32 $0x0;
	s3 =	sadd.s32 $0x2800, s8;
	s5 =	sor.u32 s6, s5  }
.Ltmp0:
0x8: {  	[sflag:s4] =	ssyncpa.u1 $0x0;
	p0 =	slt.u32 s5, $0x13;
	(pc) =	sbr.rel .LBB2_1-.Ltmp0, $4  }
0x9: {  	s6 =	simm.s32 $0x2;
	s7 =	simm.s32 @!p0 $0x0;
	p0 =	sne.s32 s5, $0x12  }
0xa: {  	[sflag:s6] =	ssyncpa.u1 $0x0;
	s5 =	smul.u32 $0x190, s5;
	s9 =	simm.s32 @!p0 $0x0  }
0xb: {  	s8 =	sadd.s32 $0x3200, s8;
	[sflag:s10] =	ssyncpa.u1 $0x0;
	s7 =	sadd.s32 s9, s7  }
0xc: {  	vm0 =	vmmov $0xffff;
	s10 =	simm.s32 $0x0;
	s11 =	smov.u32 s5;
	s9 =	sadd.s32 $0x1, s7  }
.LBB2_4:
0xd: {  	v2 =	vnsel vm1, $0x0, v2  }
0xe: {  	vm1 =	vgt.s32 v0, $0x0;
	v2 =	vmin.u32 v2, $0x4E1F  }
0xf: {  	v0 =	vnsel vm1, $0x0, v0  }
0x10: {  	v0 =	vmin.u32 v0, $0x4E1F  }
0x11: {  	[tilespmem:s18], [sflag:$0x1] =	stream.indirect_vreg.gather [hbm4b:s3+s10], $0x1, v1, vm0, $0x4038;
	[tilespmem:$0x640] =	vst v63  }
0x12: {  	(ifvalue) =	ssetifvalue $0x7FFFFFFF  }
0x13: {  	[tilespmem:s15], [sflag:$0x1] =	stream.indirect_vreg.gather [hbm4b:s3+s10], $0x1, v2, vm0, $0x4038;
	[tilespmem:$0x640] =	vst v63  }
0x14: {  	s29 =	sadd.s32 $0x10, s15;
	(ifvalue) =	ssetifvalue $0x7FFFFFFF  }
0x15: {  	[tilespmem:s29], [sflag:$0x1] =	stream.indirect_vreg.gather [hbm4b:s3+s10], $0x1, v0, vm0, $0x4038;
	[tilespmem:$0x640] =	vst v63  }
0x16: {  	_ =	swait.ge [sflag:s4], $0x190  }
0x17: {  	s30 =	sshrl.u32 s13, $0x3;
	[sflag:s4] =	ssyncset.done $0x0  }
0x18: {  	s31 =	sand.u32 $0x7, s13;
	s15 =	sadd.s32 s8, s30;
	[sflag:s4] =	ssyncadd.s32 $0xFFFFFE70  }
0x19: {  	[hbm4b:s15+s31] =	stream.linear.scatter [tilespmem:s14], [sflag:$0x3], $0x190, $0x38;
	[tilespmem:$0x640] =	vst v63  }
.LBB2_5:
0x1a: {  	s15 =	sadd.s32 $0x3200, s11  }
0x1b: {  	p1 =	sgt.s32 s15, $0x4E1F  }
0x1c: {  	s15 =	smov.u32 @p1 s5;
	p1 =	sne.s32 s12, s9  }
.Ltmp1:
0x1d: {  	p0 =	slt.u32 s12, $0x2;
	(pc) =	sbr.rel @!p1 .LBB2_6-.Ltmp1, $4  }
0x1e: {  	s14 =	simm.s32 @!p0 $0x3  }
0x1f: {  	_ =	swait.ge @!p0 [sflag:s14], $0x190  }
0x20: {  	s16 =	sadd.s32 $0x1, s12;
	s13 =	smov.u32 s11;
	[sflag:s14] =	ssyncset.done @!p0 $0x0  }
0x21: {  	s12 =	smov.u32 s16;
	s11 =	smov.u32 s15;
	[sflag:s14] =	ssyncadd.s32 @!p0 $0xFFFFFE70  }
.LBB2_1:
0x22: {  	p0 =	sge.u32 s12, s7  }
0x23: {  	s14 =	sxor.u32 @!p0 $0x1, s12  }
0x24: {  	s14 =	smul.u32 @!p0 $0x640, s14  }
0x25: {  	s31 =	sadd.s32 $0xFFFFFFFF, s12;
	s15 =	sshrl.u32 @!p0 s11, $0x3  }
0x26: {  	s16 =	sand.u32 @!p0 $0x7, s11;
	s15 =	sadd.s32 @!p0 s2, s15;
	s14 =	sshra.s32 @!p0 s14, $0x2  }
0x27: {  	[tilespmem:s14], [sflag:$0x2] =	stream.linear.gather @!p0 [hbm4b:s15+s16], $0x190, $0x38;
	[tilespmem:$0x640] =	vst v63  }
0x28: {  	p0 =	sge.u32 s31, s7  }
.Ltmp2:
0x29: {  	_ = 	snop;
	(pc) =	sbr.rel @p0 .LBB2_5-.Ltmp2, $1  }
0x2a: {  	_ =	sdelay $0x3  }
0x2b: {  	s14 =	sand.u32 $0x1, s12  }
0x2c: {  	_ =	swait.ge [sflag:s6], $0x190;
	p0 =	seq.s32 s14, $0x1;
	s14 =	simm.s32 $0x190  }
0x2d: {  	[sflag:s6] =	ssyncset.done $0x0;
	s14 =	simm.s32 @!p0 $0x0  }
0x2e: {  	[sflag:s6] =	ssyncadd.s32 $0xFFFFFE70;
	(ifvalue) =	ssetifvalue $0x7FFFFFFF;
	v0 =	vld.msk [tilespmem:s14+$0x0 ss:$0x1], $0xffff;
	_ =	sdelay $0x4  }
0x2f: {  	s15 =	sadd.s32 $0x10, s14;
	vm1 =	vgt.s32 v0, $0x0  }
0x30: {  	v2 =	vld.msk [tilespmem:s15+$0x0 ss:$0x1], $0xffff;
	v1 =	vnsel vm1, $0x0, v0  }
0x31: {  	v1 =	vmin.u32 v1, $0x4E1F;
	_ =	sdelay $0x2  }
0x32: {  	s17 =	simm.s32 $0x20;
	s14 =	sadd.s32 $0x320, s14;
	s16 =	sadd.s32 $0x10, s15  }
0x33: {  	s15 =	sadd.s32 $0x10, s14;
	s18 =	smov.u32 s14;
	v0 =	vld.msk [tilespmem:s16+$0x0 ss:$0x1], $0xffff;
	vm1 =	vgt.s32 v2, $0x0;
	(ifvalue) =	ssetifvalue $0x7FFFFFFF  }
.LBB2_3:
0x34: {  	[tilespmem:s18], [sflag:$0x1] =	stream.indirect_vreg.gather [hbm4b:s3+s10], $0x1, v1, vm0, $0x4038;
	[tilespmem:$0x640] =	vst v63  }
0x35: {  	s17 =	sadd.s32 $0x10, s17  }
0x36: {  	v2 =	vnsel vm1, $0x0, v2;
	p0 =	slt.u32 s17, $0x180  }
.Ltmp3:
0x37: {  	s18 =	smov.u32 s15;
	v1 =	vmin.u32 v2, $0x4E1F;
	(pc) =	sbr.rel @p0 .LBB2_3-.Ltmp3, $3  }
0x38: {  	_ =	sdelay $0x1  }
0x39: {  	s16 =	sadd.s32 $0x10, s16  }
0x3a: {  	vm1 =	vgt.s32 v0, $0x0;
	s15 =	sadd.s32 $0x10, s15;
	v2 =	vmov v0;
	(ifvalue) =	ssetifvalue $0x7FFFFFFF;
	v0 =	vld.msk [tilespmem:s16+$0x0 ss:$0x1], $0xffff  }
.Ltmp4:
0x3b: {  	_ = 	snop;
	(pc) =	sbr.rel .LBB2_4-.Ltmp4, $1  }
0x3c: {  	_ =	sdelay $0x3  }
.LBB2_6:
0x3d: {  	_ =	sfence.sel $0x180000  }
0x3e: {  	s2 =	simm.s32 $0x2;
	[bflag:$0x0] =	sbarrier.arrive $0xFFFF  }
0x3f: {  	s30 =	simm.s32 $0x3;
	[sflag:s2] =	ssyncpa.u1 $0x1  }
0x40: {  	s31 =	simm.s32 $0x1;
	[sflag:s30] =	ssyncpa.u1 $0x1  }
0x41: {  	[sflag:s31] =	ssyncpa.u1 $0x1  }
0x42: {  	p0 =	sne.s32 s1, $0x0;
	_ =	strace $0x90000047  }
0x43: {  	s0 =	sadd.s32 @!p0 $0x100000, s0;
	[bflag:$0x2] =	sbarrier.arrive $0xFFFF  }
0x44: {  	[sflag:s0] =	ssyncadd.tile.s32 @!p0 $0x1;
	_ =	shalt  }
.Lfunc_end2:
_tile_overlayer_lowered:
.L_overlay_start_2:
0x45: {  	(tag) =	ssettag $0x2  }
0x46: {  	s0 =	rddreg [dreg:$0x0];
	s2 =	stileid.u32  }
0x47: {  	s1 =	rddreg [dreg:$0x1];
	p0 =	sne.s32 s2, $0x0  }
0x48: {  	s3 =	rddreg [dreg:$0x2];
	[bflag:$0x3] =	sbarrier.arrive $0xFFFF;
	s2 =	simm.s32 @!p0 $0x1C01  }
0x49: {  	[timem:s3], [sflag:s2] =	dma.local @!p0 [hbm:s0], s1  }
0x4a: {  	s0 =	simm.s32 @!p0 $0x1  }
0x4b: {  	_ =	swait.ge @!p0 [sflag:s0], s1  }
0x4c: {  	s1 =	ssub.s32 @!p0 $0x0, s1;
	[sflag:s0] =	ssyncset.done @!p0 $0x0  }
0x4d: {  	[sflag:s0] =	ssyncadd.s32 @!p0 s1  }
0x4e: {  	[bflag:$0x3] =	sbarrier.arrive $0xFFFF  }
0x4f: {  	_ =	shalt  }

// kernel: gather_offload_async_start
scs
__scs_entry_jumppad:
0x0: {  	(pc) =	sbr.rel $0x88, $3  }
0x1: {  	(tag) =	ssettag $0x0;
	lr =	simm.s32 $0x1  }
0x2: {  	[smem:$0x3F9F] =	sst lr;
	_ =	strace $0xD0000000  }
0x3: {  	_ = 	snop  }
0x4: {  	_ = 	snop  }
0x5: {  	_ = 	snop  }
0x6: {  	_ = 	snop  }
0x7: {  	_ = 	snop  }
__scs_overlays_trampoline_lowered:
0x8: {  	[smem:$0x3FAE] =	sst s0  }
0x9: {  	[smem:$0x3FAF] =	sst s1  }
0xa: {  	[smem:$0x3FB0] =	sst s2  }
0xb: {  	[smem:$0x3FB1] =	sst s3  }
0xc: {  	[smem:$0x3FB2] =	sst s4  }
0xd: {  	[smem:$0x3FB3] =	sst s5  }
0xe: {  	[smem:$0x3FB4] =	sst s6  }
0xf: {  	[smem:$0x3FB5] =	sst s7  }
0x10: {  	[smem:$0x3FB6] =	sst s8  }
0x11: {  	[smem:$0x3FB7] =	sst s9;
	s0 =	simm.s32 @!p0 $0x0  }
0x12: {  	s1 =	sld [smem:$0x3F9D];
	s0 =	simm.s32 @p0 $0x1  }
0x13: {  	[smem:$0x3FB8] =	sst s0;
	s0 =	simm.s32 @!p1 $0x0  }
0x14: {  	s2 =	sld [smem:$0x3F9C];
	s0 =	simm.s32 @p1 $0x1  }
0x15: {  	[smem:$0x3FB9] =	sst s0;
	s0 =	simm.s32 @!p2 $0x0  }
0x16: {  	s3 =	sld [smem:$0x3FDB];
	s0 =	simm.s32 @p2 $0x1  }
0x17: {  	s4 =	simm.s32 $0x1BF5;
	[smem:$0x3FBB] =	sst s0  }
0x18: {  	s0 =	sld [smem:$0x3F9E];
	_ =	swait.ge [sflag:s4], $0x0  }
0x19: {  	s7 =	sld [smem:$0x3F9F]  }
0x1a: {  	s8 =	sadd.s32 $0xFFFFE003, lr  }
0x1b: {  	s9 =	sadd.s32 $0xFFFFFEF7, lr;
	s5 =	simm.s32 $0xFFFFFFFF;
	p2 =	slt.u32 s8, $0xFFFFF086  }
0x1c: {  	p1 =	slt.u32 s9, $0xF7A;
	s5 =	simm.s32 @!p2 $0x0  }
0x1d: {  	s5 =	simm.s32 @p1 $0x1;
	p0 =	seq.s32 s7, s2  }
0x1e: {  	s7 =	smul.u32 @!p0 $0xF7A, s2;
	p2 =	seq.s32 @!p0 s5, $0x0  }
0x1f: {  	s9 =	smul.u32 $0xF7A, s1;
	s8 =	simm.s32 @!p0 $0x1BF5;
	p2 =	por !p2, p0  }
0x20: {  	[sflag:s8] =	ssyncset.s32 @!p0 $0xFFFFF086;
	s6 =	sadd.s32 @!p0 s3, s7;
	s7 =	simm.s32 @!p0 $0x108  }
0x21: {  	s3 =	sadd.s32 s3, s9;
	s6 =	sadd.s32 @!p0 $0x88, s6;
	s7 =	simm.s32 @p2 $0x1082  }
0x22: {  	[simem:s7], [sflag:s8] =	dma.local @!p0 [hbm:s6], $0xF7A  }
0x23: {  	s9 =	sor.u32 $0xD0000000, s2;
	s6 =	simm.s32 $0x108;
	_ =	swait.ge @!p0 [sflag:s8], $0x0  }
0x24: {  	s3 =	sadd.s32 $0x88, s3;
	s6 =	simm.s32 @!p1 $0x1082;
	[sflag:s4] =	ssyncset.s32 $0xFFFFF086  }
0x25: {  	[simem:s6], [sflag:s4] =	dma.local [hbm:s3], $0xF7A  }
0x26: {  	[smem:$0x3F9F] =	sst s1;
	(tag) =	ssettag s2;
	_ =	strace s9  }
0x27: {  	s1 =	sld [smem:$0x3FAF]  }
0x28: {  	s2 =	sld [smem:$0x3FB0]  }
0x29: {  	s4 =	sld [smem:$0x3FB2]  }
0x2a: {  	p0 =	seq.s32 s5, $0x0;
	s5 =	sld [smem:$0x3FB3]  }
0x2b: {  	s6 =	sld [smem:$0x3FB4]  }
0x2c: {  	s7 =	sld [smem:$0x3FB5]  }
0x2d: {  	s3 =	simm.s32 $0x108;
	s8 =	sld [smem:$0x3FB6]  }
0x2e: {  	s3 =	simm.s32 @!p0 $0x1082;
	s9 =	sld [smem:$0x3FB7]  }
0x2f: {  	lr =	sadd.s32 s0, s3;
	s0 =	sld [smem:$0x3FAE]  }
0x30: {  	s3 =	sld [smem:$0x3FB1]  }
0x31: {  	[smem:$0x3FBA] =	sst s10  }
0x32: {  	s10 =	sld [smem:$0x3FB8];
	_ =	sdelay $0x3  }
0x33: {  	p0 =	seq.s32 s10, $0x1;
	s10 =	sld [smem:$0x3FBA];
	_ =	sdelay $0x3  }
0x34: {  	[smem:$0x3FBA] =	sst s10  }
0x35: {  	s10 =	sld [smem:$0x3FB9];
	_ =	sdelay $0x3  }
0x36: {  	p1 =	seq.s32 s10, $0x1;
	s10 =	sld [smem:$0x3FBA];
	_ =	sdelay $0x3  }
0x37: {  	[smem:$0x3FBA] =	sst s10  }
0x38: {  	s10 =	sld [smem:$0x3FBB]  }
0x39: {  	_ = 	snop;
	(pc) =	sbr.ind lr, $3  }
0x3a: {  	_ = 	snop  }
0x3b: {  	_ = 	snop  }
0x3c: {  	p2 =	seq.s32 s10, $0x1;
	s10 =	sld [smem:$0x3FBA]  }
0x3d: {  	_ =	shalt  }
0x3e: {  	_ =	shalt  }
0x3f: {  	_ =	shalt  }
0x40: {  	_ =	shalt  }
0x41: {  	_ =	shalt  }
0x42: {  	_ =	shalt  }
0x43: {  	_ =	shalt  }
0x44: {  	_ =	shalt  }
0x45: {  	_ =	shalt  }
0x46: {  	_ =	shalt  }
0x47: {  	_ =	shalt  }
0x48: {  	_ =	shalt  }
0x49: {  	_ =	shalt  }
0x4a: {  	_ =	shalt  }
0x4b: {  	_ =	shalt  }
0x4c: {  	_ =	shalt  }
0x4d: {  	_ =	shalt  }
0x4e: {  	_ =	shalt  }
0x4f: {  	_ =	shalt  }
0x50: {  	_ =	shalt  }
0x51: {  	_ =	shalt  }
0x52: {  	_ =	shalt  }
0x53: {  	_ =	shalt  }
0x54: {  	_ =	shalt  }
0x55: {  	_ =	shalt  }
0x56: {  	_ =	shalt  }
0x57: {  	_ =	shalt  }
0x58: {  	_ =	shalt  }
0x59: {  	_ =	shalt  }
0x5a: {  	_ =	shalt  }
0x5b: {  	_ =	shalt  }
0x5c: {  	_ =	shalt  }
0x5d: {  	_ =	shalt  }
0x5e: {  	_ =	shalt  }
0x5f: {  	_ =	shalt  }
0x60: {  	_ =	shalt  }
0x61: {  	_ =	shalt  }
0x62: {  	_ =	shalt  }
0x63: {  	_ =	shalt  }
0x64: {  	_ =	shalt  }
0x65: {  	_ =	shalt  }
0x66: {  	_ =	shalt  }
0x67: {  	_ =	shalt  }
0x68: {  	_ =	shalt  }
0x69: {  	_ =	shalt  }
0x6a: {  	_ =	shalt  }
0x6b: {  	_ =	shalt  }
0x6c: {  	_ =	shalt  }
0x6d: {  	_ =	shalt  }
0x6e: {  	_ =	shalt  }
0x6f: {  	_ =	shalt  }
0x70: {  	_ =	shalt  }
0x71: {  	_ =	shalt  }
0x72: {  	_ =	shalt  }
0x73: {  	_ =	shalt  }
0x74: {  	_ =	shalt  }
0x75: {  	_ =	shalt  }
0x76: {  	_ =	shalt  }
0x77: {  	_ =	shalt  }
0x78: {  	_ =	shalt  }
0x79: {  	_ =	shalt  }
0x7a: {  	_ =	shalt  }
0x7b: {  	_ =	shalt  }
0x7c: {  	_ =	shalt  }
0x7d: {  	_ =	shalt  }
0x7e: {  	_ =	shalt  }
0x7f: {  	_ =	shalt  }
0x80: {  	_ =	shalt  }
0x81: {  	_ =	shalt  }
0x82: {  	_ =	shalt  }
0x83: {  	_ =	shalt  }
0x84: {  	_ =	shalt  }
0x85: {  	_ =	shalt  }
0x86: {  	_ =	shalt  }
0x87: {  	_ =	shalt  }
.Lfunc_end0:
.L_simem_size_0:
called_computation_lowered:
.L_overlay_start_0:
0x88: {  	s2 =	sld [smem:$0x3FD9]  }
0x89: {  	s3 =	sld [smem:$0x3FFE];
	_ =	sdelay $0x1  }
0x8a: {  	s1 =	srdreg.scid  }
0x8b: {  	s0 =	sand.u32 $0x1, s1  }
0x8c: {  	s15 =	sshll.u32 s0, $0xA;
	s2 =	sadd.s32 s3, s2  }
0x8d: {  	s2 =	sadd.s32 s2, s15  }
0x8e: {  	[smem:$0x3FC6] =	sst s2  }
0x8f: {  	_ = 	snop  }
0x90: {  	s2 =	sld [smem:$0x3FD0];
	_ =	sdelay $0x2  }
0x91: {  	s4 =	simm.s32 $0xB;
	s16 =	simm.s32 $0x10  }
0x92: {  	[smem:s16], [sflag:s4] =	dma.local [hbm:s2], $0x1  }
0x93: {  	_ =	swait.eq [sflag:s4], $0x1  }
0x94: {  	[sflag:s4] =	ssyncset.done $0x0  }
0x95: {  	s17 =	sld [smem:$0x10];
	[sflag:s4] =	ssyncadd.s32 $0xFFFFFFFF  }
0x96: {  	s18 =	sld [smem:$0x12];
	(tm) =	ssettm $0x1  }
0x97: {  	s19 =	sld [smem:$0x3FFB];
	_ =	sdelay $0x3  }
0x98: {  	_ =	strace s19  }
0x99: {  	s2 =	sld [smem:$0x3FFC];
	_ =	sdelay $0x3  }
0x9a: {  	_ =	strace s2  }
0x9b: {  	s2 =	sld [smem:$0x3FFD];
	_ =	sdelay $0x3  }
0x9c: {  	_ =	strace s2  }
0x9d: {  	_ =	strace $0x8FFFFFFF  }
0x9e: {  	s20 =	sld [smem:$0x3FDB];
	_ =	sdelay $0x1  }
0x9f: {  	s5 =	simm.s32 $_scs_section_size  }
0xa0: {  	s6 =	simm.s32 $_size__tile_overlayer_lowered;
	s7 =	simm.s32 $_tile_overlayer_lowered  }
0xa1: {  	s8 =	simm.s32 $0x1BFF;
	s21 =	sshll.u32 s7, $0x1;
	s5 =	sadd.s32 s5, s20  }
0xa2: {  	s22 =	simm.s32 $0x0;
	s6 =	sshll.u32 s6, $0x1;
	s7 =	sadd.s32 s21, s5  }
0xa3: {  	[timem:s22], [sflag:s8] =	dma.local [hbm:s7], s6  }
0xa4: {  	_ =	swait.ge [sflag:s8], s6  }
0xa5: {  	s6 =	ssub.s32 $0x0, s6;
	[sflag:s8] =	ssyncset.done $0x0  }
0xa6: {  	[sflag:s8] =	ssyncadd.s32 s6;
	_ =	sdelay $0x1  }
0xa7: {  	s23 =	simm.s32 $0x1B8B  }
0xa8: {  	_ =	swait.ge [sflag:s23], $0x1  }
0xa9: {  	[sflag:s23] =	ssyncset.done $0x0  }
0xaa: {  	[sflag:s23] =	ssyncadd.s32 $0xFFFFFFFF  }
0xab: {  	s6 =	sld [smem:$0x0]  }
0xac: {  	s7 =	sand.u32 $0xFFFFFFFE, s1  }
0xad: {  	p0 =	sne.s32 s1, s7  }
0xae: {  	s7 =	sshll.u32 @p0 s7, $0xE  }
0xaf: {  	s7 =	sadd.s32 @p0 $0x11B8D, s7;
	s8 =	sshll.u32 @p0 s6, $0x11  }
0xb0: {  	s7 =	sor.u32 @p0 s8, s7  }
0xb1: {  	[sflag:s7] =	ssyncadd.remote.s32 @p0 $0x1;
	_ =	sdelay $0x1  }
0xb2: {  	s7 =	simm.s32 @p0 $0x1B8D  }
0xb3: {  	_ =	swait.eq @p0 [sflag:s7], $0x1  }
0xb4: {  	[sflag:s7] =	ssyncadd.s32 @p0 $0xFFFFFFFF  }
0xb5: {  	s8 =	sshll.u32 @!p0 s1, $0xE  }
0xb6: {  	s8 =	sor.u32 @!p0 $0x4000, s8;
	s7 =	simm.s32 @!p0 $0x1B8D  }
0xb7: {  	s6 =	sshll.u32 @!p0 s6, $0x11;
	s8 =	sadd.s32 @!p0 $0x11B8D, s8;
	_ =	swait.eq @!p0 [sflag:s7], $0x1  }
0xb8: {  	s6 =	sor.u32 @!p0 s6, s8;
	[sflag:s7] =	ssyncadd.s32 @!p0 $0xFFFFFFFF  }
0xb9: {  	s25 =	simm.s32 $0x1B8E;
	s24 =	sld [smem:$0x3FFE];
	[sflag:s6] =	ssyncadd.remote.s32 @!p0 $0x1  }
0xba: {  	s26 =	simm.s32 $execute0_lowered;
	[smem:$0x3FD2] =	sst s25  }
0xbb: {  	s7 =	sshll.u32 s26, $0x1;
	_ =	strace $0x80000052;
	[dreg:$0x1] =	wrdreg $0xFFFFFFFF  }
0xbc: {  	s28 =	simm.s32 $_size_execute0_lowered;
	s5 =	sadd.s32 s5, s7;
	[dreg:$0x0] =	wrdreg $0x0  }
0xbd: {  	s7 =	sshll.u32 s28, $0x1;
	[dreg:$0x2] =	wrdreg s5  }
0xbe: {  	[dreg:$0x3] =	wrdreg s7  }
0xbf: {  	[dreg:$0x4] =	wrdreg $0xC0  }
0xc0: {  	_ =	task [dreg:s22], $0x5FFFF  }
0xc1: {  	[dreg:$0x1] =	wrdreg $0xFFFFFFFF  }
0xc2: {  	[dreg:$0x0] =	wrdreg $0x60  }
0xc3: {  	[dreg:$0x2] =	wrdreg s18  }
0xc4: {  	[dreg:$0x3] =	wrdreg s17  }
0xc5: {  	[dreg:$0x4] =	wrdreg s24  }
0xc6: {  	[dreg:$0x5] =	wrdreg $0xA  }
0xc7: {  	_ =	task.clear_ibuf [dreg:s22], $0x6FFFF;
	_ =	strace $0x90000052  }
0xc8: {  	s29 =	simm.s32 $0xA;
	_ =	strace $0x80000054  }
0xc9: {  	_ =	swait.ge [sflag:s29], $0x1  }
0xca: {  	[sflag:s29] =	ssyncadd.s32 $0xFFFFFFFF  }
0xcb: {  	_ =	strace $0x90000054  }
0xcc: {  	_ =	sfence  }
0xcd: {  	s30 =	sld [smem:$0x0];
	_ =	sdelay $0x2  }
0xce: {  	s31 =	sshll.u32 s1, $0xD;
	s1 =	sshrl.u32 s1, $0x2  }
0xcf: {  	s4 =	sand.u32 $0x4000, s31;
	s1 =	sadd.s32 s1, s30  }
0xd0: {  	s0 =	sor.u32 s4, s0;
	s1 =	sshll.u32 s1, $0x11  }
0xd1: {  	s0 =	sor.u32 s1, s0  }
0xd2: {  	s0 =	sadd.s32 $0x8F2B, s0  }
0xd3: {  	[sflag:s0] =	ssyncadd.remote.s32 $0x1  }
0xd4: {  	_ =	sfence.sel $0xFFFF  }
0xd5: {  	[dreg:$0x0] =	wrdreg $0xFFFFFFFF;
	(pc) =	sbr.abs _section_cstart, $3  }
0xd6: {  	[dreg:$0x1] =	wrdreg $0xFFFFFFFF  }
0xd7: {  	_ =	task.clear_ibuf [dreg:s22], $0x2FFFF;
	_ =	strace $0x9FFFFFFF  }
0xd8: {  	(tm) =	ssettm $0x7FFFFFFF  }
0xd9: {  	_ =	shalt  }
tec
execute0_lowered:
.L_overlay_start_1:
0x0: {  	(tag) =	ssettag $0x1  }
0x1: {  	s2 =	rddreg [dreg:$0x0]  }
0x2: {  	s3 =	rddreg [dreg:$0x1]  }
0x3: {  	s8 =	rddreg [dreg:$0x2];
	s1 =	stileid.u32  }
0x4: {  	s4 =	srdreg.scid;
	s0 =	rddreg [dreg:$0x3];
	_ =	strace $0x80000053  }
0x5: {  	s7 =	simm.s32 $0x1;
	s9 =	simm.s32 $0x1;
	s10 =	simm.s32 $0x3  }
0x6: {  	s13 =	simm.s32 $0x0;
	s5 =	sand.u32 $0x1, s4;
	s6 =	sshll.u32 s1, $0x1  }
0x7: {  	s12 =	simm.s32 $0x0;
	s4 =	simm.s32 $0x1;
	s5 =	sor.u32 s6, s5  }
.Ltmp0:
0x8: {  	[sflag:s4] =	ssyncpa.u1 $0x0;
	p0 =	slt.u32 s5, $0x13;
	(pc) =	sbr.rel .LBB2_1-.Ltmp0, $4  }
0x9: {  	s6 =	simm.s32 $0x2;
	s7 =	simm.s32 @!p0 $0x0;
	p0 =	sne.s32 s5, $0x12  }
0xa: {  	[sflag:s6] =	ssyncpa.u1 $0x0;
	s5 =	smul.u32 $0x190, s5;
	s9 =	simm.s32 @!p0 $0x0  }
0xb: {  	s8 =	sadd.s32 $0x1400, s8;
	[sflag:s10] =	ssyncpa.u1 $0x0;
	s7 =	sadd.s32 s9, s7  }
0xc: {  	vm0 =	vmmov $0xffff;
	s10 =	simm.s32 $0x0;
	s11 =	smov.u32 s5;
	s9 =	sadd.s32 $0x1, s7  }
.LBB2_4:
0xd: {  	v2 =	vnsel vm1, $0x0, v2  }
0xe: {  	vm1 =	vgt.s32 v0, $0x0;
	v2 =	vmin.u32 v2, $0x4E1F  }
0xf: {  	v0 =	vnsel vm1, $0x0, v0  }
0x10: {  	v0 =	vmin.u32 v0, $0x4E1F  }
0x11: {  	[tilespmem:s18], [sflag:$0x1] =	stream.indirect_vreg.gather [hbm4b:s2+s10], $0x1, v1, vm0, $0x4038;
	[tilespmem:$0x640] =	vst v63  }
0x12: {  	(ifvalue) =	ssetifvalue $0x7FFFFFFF  }
0x13: {  	[tilespmem:s15], [sflag:$0x1] =	stream.indirect_vreg.gather [hbm4b:s2+s10], $0x1, v2, vm0, $0x4038;
	[tilespmem:$0x640] =	vst v63  }
0x14: {  	s29 =	sadd.s32 $0x10, s15;
	(ifvalue) =	ssetifvalue $0x7FFFFFFF  }
0x15: {  	[tilespmem:s29], [sflag:$0x1] =	stream.indirect_vreg.gather [hbm4b:s2+s10], $0x1, v0, vm0, $0x4038;
	[tilespmem:$0x640] =	vst v63  }
0x16: {  	_ =	swait.ge [sflag:s4], $0x190  }
0x17: {  	s30 =	sshrl.u32 s13, $0x3;
	[sflag:s4] =	ssyncset.done $0x0  }
0x18: {  	s31 =	sand.u32 $0x7, s13;
	s15 =	sadd.s32 s8, s30;
	[sflag:s4] =	ssyncadd.s32 $0xFFFFFE70  }
0x19: {  	[hbm4b:s15+s31] =	stream.linear.scatter [tilespmem:s14], [sflag:$0x3], $0x190, $0x38;
	[tilespmem:$0x640] =	vst v63  }
.LBB2_5:
0x1a: {  	s15 =	sadd.s32 $0x3200, s11  }
0x1b: {  	p1 =	sgt.s32 s15, $0x4E1F  }
0x1c: {  	s15 =	smov.u32 @p1 s5;
	p1 =	sne.s32 s12, s9  }
.Ltmp1:
0x1d: {  	p0 =	slt.u32 s12, $0x2;
	(pc) =	sbr.rel @!p1 .LBB2_6-.Ltmp1, $4  }
0x1e: {  	s14 =	simm.s32 @!p0 $0x3  }
0x1f: {  	_ =	swait.ge @!p0 [sflag:s14], $0x190  }
0x20: {  	s16 =	sadd.s32 $0x1, s12;
	s13 =	smov.u32 s11;
	[sflag:s14] =	ssyncset.done @!p0 $0x0  }
0x21: {  	s12 =	smov.u32 s16;
	s11 =	smov.u32 s15;
	[sflag:s14] =	ssyncadd.s32 @!p0 $0xFFFFFE70  }
.LBB2_1:
0x22: {  	p0 =	sge.u32 s12, s7  }
0x23: {  	s14 =	sxor.u32 @!p0 $0x1, s12  }
0x24: {  	s14 =	smul.u32 @!p0 $0x640, s14  }
0x25: {  	s31 =	sadd.s32 $0xFFFFFFFF, s12;
	s15 =	sshrl.u32 @!p0 s11, $0x3  }
0x26: {  	s16 =	sand.u32 @!p0 $0x7, s11;
	s15 =	sadd.s32 @!p0 s3, s15;
	s14 =	sshra.s32 @!p0 s14, $0x2  }
0x27: {  	[tilespmem:s14], [sflag:$0x2] =	stream.linear.gather @!p0 [hbm4b:s15+s16], $0x190, $0x38;
	[tilespmem:$0x640] =	vst v63  }
0x28: {  	p0 =	sge.u32 s31, s7  }
.Ltmp2:
0x29: {  	_ = 	snop;
	(pc) =	sbr.rel @p0 .LBB2_5-.Ltmp2, $1  }
0x2a: {  	_ =	sdelay $0x3  }
0x2b: {  	s14 =	sand.u32 $0x1, s12  }
0x2c: {  	_ =	swait.ge [sflag:s6], $0x190;
	p0 =	seq.s32 s14, $0x1;
	s14 =	simm.s32 $0x190  }
0x2d: {  	[sflag:s6] =	ssyncset.done $0x0;
	s14 =	simm.s32 @!p0 $0x0  }
0x2e: {  	[sflag:s6] =	ssyncadd.s32 $0xFFFFFE70;
	(ifvalue) =	ssetifvalue $0x7FFFFFFF;
	v0 =	vld.msk [tilespmem:s14+$0x0 ss:$0x1], $0xffff;
	_ =	sdelay $0x4  }
0x2f: {  	s15 =	sadd.s32 $0x10, s14;
	vm1 =	vgt.s32 v0, $0x0  }
0x30: {  	v2 =	vld.msk [tilespmem:s15+$0x0 ss:$0x1], $0xffff;
	v1 =	vnsel vm1, $0x0, v0  }
0x31: {  	v1 =	vmin.u32 v1, $0x4E1F;
	_ =	sdelay $0x2  }
0x32: {  	s17 =	simm.s32 $0x20;
	s14 =	sadd.s32 $0x320, s14;
	s16 =	sadd.s32 $0x10, s15  }
0x33: {  	s15 =	sadd.s32 $0x10, s14;
	s18 =	smov.u32 s14;
	v0 =	vld.msk [tilespmem:s16+$0x0 ss:$0x1], $0xffff;
	vm1 =	vgt.s32 v2, $0x0;
	(ifvalue) =	ssetifvalue $0x7FFFFFFF  }
.LBB2_3:
0x34: {  	[tilespmem:s18], [sflag:$0x1] =	stream.indirect_vreg.gather [hbm4b:s2+s10], $0x1, v1, vm0, $0x4038;
	[tilespmem:$0x640] =	vst v63  }
0x35: {  	s17 =	sadd.s32 $0x10, s17  }
0x36: {  	v2 =	vnsel vm1, $0x0, v2;
	p0 =	slt.u32 s17, $0x180  }
.Ltmp3:
0x37: {  	s18 =	smov.u32 s15;
	v1 =	vmin.u32 v2, $0x4E1F;
	(pc) =	sbr.rel @p0 .LBB2_3-.Ltmp3, $3  }
0x38: {  	_ =	sdelay $0x1  }
0x39: {  	s16 =	sadd.s32 $0x10, s16  }
0x3a: {  	vm1 =	vgt.s32 v0, $0x0;
	s15 =	sadd.s32 $0x10, s15;
	v2 =	vmov v0;
	(ifvalue) =	ssetifvalue $0x7FFFFFFF;
	v0 =	vld.msk [tilespmem:s16+$0x0 ss:$0x1], $0xffff  }
.Ltmp4:
0x3b: {  	_ = 	snop;
	(pc) =	sbr.rel .LBB2_4-.Ltmp4, $1  }
0x3c: {  	_ =	sdelay $0x3  }
.LBB2_6:
0x3d: {  	_ =	sfence.sel $0x180000  }
0x3e: {  	s2 =	simm.s32 $0x2;
	[bflag:$0x0] =	sbarrier.arrive $0xFFFF  }
0x3f: {  	s30 =	simm.s32 $0x3;
	[sflag:s2] =	ssyncpa.u1 $0x1  }
0x40: {  	s31 =	simm.s32 $0x1;
	[sflag:s30] =	ssyncpa.u1 $0x1  }
0x41: {  	[sflag:s31] =	ssyncpa.u1 $0x1  }
0x42: {  	p0 =	sne.s32 s1, $0x0;
	_ =	strace $0x90000053  }
0x43: {  	s0 =	sadd.s32 @!p0 $0x100000, s0;
	[bflag:$0x2] =	sbarrier.arrive $0xFFFF  }
0x44: {  	[sflag:s0] =	ssyncadd.tile.s32 @!p0 $0x1;
	_ =	shalt  }
.Lfunc_end2:
_tile_overlayer_lowered:
.L_overlay_start_2:
0x45: {  	(tag) =	ssettag $0x2  }
0x46: {  	s0 =	rddreg [dreg:$0x0];
	s2 =	stileid.u32  }
0x47: {  	s1 =	rddreg [dreg:$0x1];
	p0 =	sne.s32 s2, $0x0  }
0x48: {  	s3 =	rddreg [dreg:$0x2];
	[bflag:$0x3] =	sbarrier.arrive $0xFFFF;
	s2 =	simm.s32 @!p0 $0x1C01  }
0x49: {  	[timem:s3], [sflag:s2] =	dma.local @!p0 [hbm:s0], s1  }
0x4a: {  	s0 =	simm.s32 @!p0 $0x1  }
0x4b: {  	_ =	swait.ge @!p0 [sflag:s0], s1  }
0x4c: {  	s1 =	ssub.s32 @!p0 $0x0, s1;
	[sflag:s0] =	ssyncset.done @!p0 $0x0  }
0x4d: {  	[sflag:s0] =	ssyncadd.s32 @!p0 s1  }
0x4e: {  	[bflag:$0x3] =	sbarrier.arrive $0xFFFF  }
0x4f: {  	_ =	shalt  }

// kernel: kernel.4.cloned.1.call-start
scs
__scs_entry_jumppad:
0x0: {  	(pc) =	sbr.rel $0x88, $3  }
0x1: {  	(tag) =	ssettag $0x0;
	lr =	simm.s32 $0x1  }
0x2: {  	[smem:$0x3F9F] =	sst lr;
	_ =	strace $0xD0000000  }
0x3: {  	_ = 	snop  }
0x4: {  	_ = 	snop  }
0x5: {  	_ = 	snop  }
0x6: {  	_ = 	snop  }
0x7: {  	_ = 	snop  }
__scs_overlays_trampoline_lowered:
0x8: {  	[smem:$0x3FAE] =	sst s0  }
0x9: {  	[smem:$0x3FAF] =	sst s1  }
0xa: {  	[smem:$0x3FB0] =	sst s2  }
0xb: {  	[smem:$0x3FB1] =	sst s3  }
0xc: {  	[smem:$0x3FB2] =	sst s4  }
0xd: {  	[smem:$0x3FB3] =	sst s5  }
0xe: {  	[smem:$0x3FB4] =	sst s6  }
0xf: {  	[smem:$0x3FB5] =	sst s7  }
0x10: {  	[smem:$0x3FB6] =	sst s8  }
0x11: {  	[smem:$0x3FB7] =	sst s9;
	s0 =	simm.s32 @!p0 $0x0  }
0x12: {  	s1 =	sld [smem:$0x3F9D];
	s0 =	simm.s32 @p0 $0x1  }
0x13: {  	[smem:$0x3FB8] =	sst s0;
	s0 =	simm.s32 @!p1 $0x0  }
0x14: {  	s2 =	sld [smem:$0x3F9C];
	s0 =	simm.s32 @p1 $0x1  }
0x15: {  	[smem:$0x3FB9] =	sst s0;
	s0 =	simm.s32 @!p2 $0x0  }
0x16: {  	s3 =	sld [smem:$0x3FDB];
	s0 =	simm.s32 @p2 $0x1  }
0x17: {  	s4 =	simm.s32 $0x1BF5;
	[smem:$0x3FBB] =	sst s0  }
0x18: {  	s0 =	sld [smem:$0x3F9E];
	_ =	swait.ge [sflag:s4], $0x0  }
0x19: {  	s7 =	sld [smem:$0x3F9F]  }
0x1a: {  	s8 =	sadd.s32 $0xFFFFE003, lr  }
0x1b: {  	s9 =	sadd.s32 $0xFFFFFEF7, lr;
	s5 =	simm.s32 $0xFFFFFFFF;
	p2 =	slt.u32 s8, $0xFFFFF086  }
0x1c: {  	p1 =	slt.u32 s9, $0xF7A;
	s5 =	simm.s32 @!p2 $0x0  }
0x1d: {  	s5 =	simm.s32 @p1 $0x1;
	p0 =	seq.s32 s7, s2  }
0x1e: {  	s7 =	smul.u32 @!p0 $0xF7A, s2;
	p2 =	seq.s32 @!p0 s5, $0x0  }
0x1f: {  	s9 =	smul.u32 $0xF7A, s1;
	s8 =	simm.s32 @!p0 $0x1BF5;
	p2 =	por !p2, p0  }
0x20: {  	[sflag:s8] =	ssyncset.s32 @!p0 $0xFFFFF086;
	s6 =	sadd.s32 @!p0 s3, s7;
	s7 =	simm.s32 @!p0 $0x108  }
0x21: {  	s3 =	sadd.s32 s3, s9;
	s6 =	sadd.s32 @!p0 $0x88, s6;
	s7 =	simm.s32 @p2 $0x1082  }
0x22: {  	[simem:s7], [sflag:s8] =	dma.local @!p0 [hbm:s6], $0xF7A  }
0x23: {  	s9 =	sor.u32 $0xD0000000, s2;
	s6 =	simm.s32 $0x108;
	_ =	swait.ge @!p0 [sflag:s8], $0x0  }
0x24: {  	s3 =	sadd.s32 $0x88, s3;
	s6 =	simm.s32 @!p1 $0x1082;
	[sflag:s4] =	ssyncset.s32 $0xFFFFF086  }
0x25: {  	[simem:s6], [sflag:s4] =	dma.local [hbm:s3], $0xF7A  }
0x26: {  	[smem:$0x3F9F] =	sst s1;
	(tag) =	ssettag s2;
	_ =	strace s9  }
0x27: {  	s1 =	sld [smem:$0x3FAF]  }
0x28: {  	s2 =	sld [smem:$0x3FB0]  }
0x29: {  	s4 =	sld [smem:$0x3FB2]  }
0x2a: {  	p0 =	seq.s32 s5, $0x0;
	s5 =	sld [smem:$0x3FB3]  }
0x2b: {  	s6 =	sld [smem:$0x3FB4]  }
0x2c: {  	s7 =	sld [smem:$0x3FB5]  }
0x2d: {  	s3 =	simm.s32 $0x108;
	s8 =	sld [smem:$0x3FB6]  }
0x2e: {  	s3 =	simm.s32 @!p0 $0x1082;
	s9 =	sld [smem:$0x3FB7]  }
0x2f: {  	lr =	sadd.s32 s0, s3;
	s0 =	sld [smem:$0x3FAE]  }
0x30: {  	s3 =	sld [smem:$0x3FB1]  }
0x31: {  	[smem:$0x3FBA] =	sst s10  }
0x32: {  	s10 =	sld [smem:$0x3FB8];
	_ =	sdelay $0x3  }
0x33: {  	p0 =	seq.s32 s10, $0x1;
	s10 =	sld [smem:$0x3FBA];
	_ =	sdelay $0x3  }
0x34: {  	[smem:$0x3FBA] =	sst s10  }
0x35: {  	s10 =	sld [smem:$0x3FB9];
	_ =	sdelay $0x3  }
0x36: {  	p1 =	seq.s32 s10, $0x1;
	s10 =	sld [smem:$0x3FBA];
	_ =	sdelay $0x3  }
0x37: {  	[smem:$0x3FBA] =	sst s10  }
0x38: {  	s10 =	sld [smem:$0x3FBB]  }
0x39: {  	_ = 	snop;
	(pc) =	sbr.ind lr, $3  }
0x3a: {  	_ = 	snop  }
0x3b: {  	_ = 	snop  }
0x3c: {  	p2 =	seq.s32 s10, $0x1;
	s10 =	sld [smem:$0x3FBA]  }
0x3d: {  	_ =	shalt  }
0x3e: {  	_ =	shalt  }
0x3f: {  	_ =	shalt  }
0x40: {  	_ =	shalt  }
0x41: {  	_ =	shalt  }
0x42: {  	_ =	shalt  }
0x43: {  	_ =	shalt  }
0x44: {  	_ =	shalt  }
0x45: {  	_ =	shalt  }
0x46: {  	_ =	shalt  }
0x47: {  	_ =	shalt  }
0x48: {  	_ =	shalt  }
0x49: {  	_ =	shalt  }
0x4a: {  	_ =	shalt  }
0x4b: {  	_ =	shalt  }
0x4c: {  	_ =	shalt  }
0x4d: {  	_ =	shalt  }
0x4e: {  	_ =	shalt  }
0x4f: {  	_ =	shalt  }
0x50: {  	_ =	shalt  }
0x51: {  	_ =	shalt  }
0x52: {  	_ =	shalt  }
0x53: {  	_ =	shalt  }
0x54: {  	_ =	shalt  }
0x55: {  	_ =	shalt  }
0x56: {  	_ =	shalt  }
0x57: {  	_ =	shalt  }
0x58: {  	_ =	shalt  }
0x59: {  	_ =	shalt  }
0x5a: {  	_ =	shalt  }
0x5b: {  	_ =	shalt  }
0x5c: {  	_ =	shalt  }
0x5d: {  	_ =	shalt  }
0x5e: {  	_ =	shalt  }
0x5f: {  	_ =	shalt  }
0x60: {  	_ =	shalt  }
0x61: {  	_ =	shalt  }
0x62: {  	_ =	shalt  }
0x63: {  	_ =	shalt  }
0x64: {  	_ =	shalt  }
0x65: {  	_ =	shalt  }
0x66: {  	_ =	shalt  }
0x67: {  	_ =	shalt  }
0x68: {  	_ =	shalt  }
0x69: {  	_ =	shalt  }
0x6a: {  	_ =	shalt  }
0x6b: {  	_ =	shalt  }
0x6c: {  	_ =	shalt  }
0x6d: {  	_ =	shalt  }
0x6e: {  	_ =	shalt  }
0x6f: {  	_ =	shalt  }
0x70: {  	_ =	shalt  }
0x71: {  	_ =	shalt  }
0x72: {  	_ =	shalt  }
0x73: {  	_ =	shalt  }
0x74: {  	_ =	shalt  }
0x75: {  	_ =	shalt  }
0x76: {  	_ =	shalt  }
0x77: {  	_ =	shalt  }
0x78: {  	_ =	shalt  }
0x79: {  	_ =	shalt  }
0x7a: {  	_ =	shalt  }
0x7b: {  	_ =	shalt  }
0x7c: {  	_ =	shalt  }
0x7d: {  	_ =	shalt  }
0x7e: {  	_ =	shalt  }
0x7f: {  	_ =	shalt  }
0x80: {  	_ =	shalt  }
0x81: {  	_ =	shalt  }
0x82: {  	_ =	shalt  }
0x83: {  	_ =	shalt  }
0x84: {  	_ =	shalt  }
0x85: {  	_ =	shalt  }
0x86: {  	_ =	shalt  }
0x87: {  	_ =	shalt  }
.Lfunc_end0:
.L_simem_size_0:
called_computation.5_lowered:
.L_overlay_start_0:
0x88: {  	s2 =	sld [smem:$0x3FD9]  }
0x89: {  	s3 =	sld [smem:$0x3FFE];
	_ =	sdelay $0x1  }
0x8a: {  	s1 =	srdreg.scid  }
0x8b: {  	s0 =	sand.u32 $0x1, s1  }
0x8c: {  	s14 =	sshll.u32 s0, $0xA;
	s2 =	sadd.s32 s3, s2  }
0x8d: {  	s2 =	sadd.s32 s2, s14  }
0x8e: {  	[smem:$0x3FC6] =	sst s2  }
0x8f: {  	_ = 	snop  }
0x90: {  	s2 =	sld [smem:$0x3FD0];
	_ =	sdelay $0x2  }
0x91: {  	s15 =	simm.s32 $0xB;
	s4 =	simm.s32 $0x10  }
0x92: {  	[smem:s4], [sflag:s15] =	dma.local [hbm:s2], $0x1  }
0x93: {  	_ =	swait.eq [sflag:s15], $0x1  }
0x94: {  	s16 =	sld [smem:$0x10];
	[sflag:s15] =	ssyncset.done $0x0  }
0x95: {  	s17 =	sld [smem:$0x11];
	[sflag:s15] =	ssyncadd.s32 $0xFFFFFFFF  }
0x96: {  	s18 =	sld [smem:$0x12];
	(tm) =	ssettm $0x1  }
0x97: {  	s5 =	sld [smem:$0x3FFB];
	_ =	sdelay $0x3  }
0x98: {  	_ =	strace s5  }
0x99: {  	s5 =	sld [smem:$0x3FFC];
	_ =	sdelay $0x3  }
0x9a: {  	_ =	strace s5  }
0x9b: {  	s5 =	sld [smem:$0x3FFD];
	_ =	sdelay $0x3  }
0x9c: {  	_ =	strace s5  }
0x9d: {  	_ =	strace $0x8FFFFFFF  }
0x9e: {  	s19 =	sld [smem:$0x3FDB];
	_ =	sdelay $0x1  }
0x9f: {  	s6 =	simm.s32 $_scs_section_size  }
0xa0: {  	s7 =	simm.s32 $_size__tile_overlayer_lowered;
	s8 =	simm.s32 $_tile_overlayer_lowered  }
0xa1: {  	s22 =	simm.s32 $0x1BFF;
	s21 =	sshll.u32 s8, $0x1;
	s5 =	sadd.s32 s6, s19  }
0xa2: {  	s9 =	simm.s32 $0x0;
	s20 =	sshll.u32 s7, $0x1;
	s7 =	sadd.s32 s21, s5  }
0xa3: {  	[timem:s9], [sflag:s22] =	dma.local [hbm:s7], s20  }
0xa4: {  	_ =	swait.ge [sflag:s22], s20  }
0xa5: {  	s6 =	ssub.s32 $0x0, s20;
	[sflag:s22] =	ssyncset.done $0x0  }
0xa6: {  	[sflag:s22] =	ssyncadd.s32 s6;
	_ =	sdelay $0x1  }
0xa7: {  	s23 =	simm.s32 $0x1B8B  }
0xa8: {  	_ =	swait.ge [sflag:s23], $0x1  }
0xa9: {  	[sflag:s23] =	ssyncset.done $0x0  }
0xaa: {  	s25 =	simm.s32 $0x1B8E;
	s24 =	sld [smem:$0x3FFE];
	[sflag:s23] =	ssyncadd.s32 $0xFFFFFFFF  }
0xab: {  	s26 =	simm.s32 $execute0_lowered;
	[smem:$0x3FD2] =	sst s25  }
0xac: {  	s7 =	sshll.u32 s26, $0x1;
	_ =	strace $0x80000055;
	[dreg:$0x1] =	wrdreg $0xFFFFFFFF  }
0xad: {  	s28 =	simm.s32 $_size_execute0_lowered;
	s5 =	sadd.s32 s5, s7;
	[dreg:$0x0] =	wrdreg $0x0  }
0xae: {  	s7 =	sshll.u32 s28, $0x1;
	[dreg:$0x2] =	wrdreg s5  }
0xaf: {  	[dreg:$0x3] =	wrdreg s7  }
0xb0: {  	[dreg:$0x4] =	wrdreg $0xC0  }
0xb1: {  	_ =	task [dreg:s9], $0x5FFFF  }
0xb2: {  	[dreg:$0x1] =	wrdreg $0xFFFFFFFF  }
0xb3: {  	[dreg:$0x0] =	wrdreg $0x60  }
0xb4: {  	[dreg:$0x2] =	wrdreg s16  }
0xb5: {  	[dreg:$0x3] =	wrdreg s24  }
0xb6: {  	[dreg:$0x4] =	wrdreg s18  }
0xb7: {  	[dreg:$0x5] =	wrdreg s17  }
0xb8: {  	[dreg:$0x6] =	wrdreg $0x9  }
0xb9: {  	_ =	task.clear_ibuf [dreg:s9], $0x7FFFF;
	_ =	strace $0x90000055  }
0xba: {  	s29 =	simm.s32 $0x9;
	_ =	strace $0x80000057  }
0xbb: {  	_ =	swait.ge [sflag:s29], $0x1  }
0xbc: {  	[sflag:s29] =	ssyncadd.s32 $0xFFFFFFFF  }
0xbd: {  	_ =	strace $0x90000057  }
0xbe: {  	_ =	sfence  }
0xbf: {  	s30 =	sld [smem:$0x0];
	_ =	sdelay $0x2  }
0xc0: {  	s31 =	sshll.u32 s1, $0xD;
	s1 =	sshrl.u32 s1, $0x2  }
0xc1: {  	s3 =	sand.u32 $0x4000, s31;
	s1 =	sadd.s32 s1, s30  }
0xc2: {  	s0 =	sor.u32 s3, s0;
	s1 =	sshll.u32 s1, $0x11  }
0xc3: {  	s0 =	sor.u32 s1, s0  }
0xc4: {  	s0 =	sadd.s32 $0x8F2B, s0  }
0xc5: {  	[sflag:s0] =	ssyncadd.remote.s32 $0x1  }
0xc6: {  	_ =	sfence.sel $0xFFFF  }
0xc7: {  	[dreg:$0x0] =	wrdreg $0xFFFFFFFF;
	(pc) =	sbr.abs _section_cstart, $3  }
0xc8: {  	[dreg:$0x1] =	wrdreg $0xFFFFFFFF  }
0xc9: {  	_ =	task.clear_ibuf [dreg:s9], $0x2FFFF;
	_ =	strace $0x9FFFFFFF  }
0xca: {  	(tm) =	ssettm $0x7FFFFFFF  }
0xcb: {  	_ =	shalt  }
tec
execute0_lowered:
.L_overlay_start_1:
0x0: {  	(tag) =	ssettag $0x1  }
0x1: {  	s1 =	srdreg.scid  }
0x2: {  	s6 =	sand.u32 $0x1, s1;
	s1 =	stileid.u32  }
0x3: {  	s7 =	sshll.u32 s1, $0x1;
	s8 =	ssub.s32 $0x0, s6  }
0x4: {  	p0 =	sne.s32 s7, s8  }
.Ltmp0:
0x5: {  	s0 =	rddreg [dreg:$0x0];
	(pc) =	sbr.rel @p0 .LBB2_9-.Ltmp0, $4  }
0x6: {  	s2 =	rddreg [dreg:$0x1]  }
0x7: {  	s4 =	rddreg [dreg:$0x2]  }
0x8: {  	s5 =	rddreg [dreg:$0x3]  }
0x9: {  	s3 =	rddreg [dreg:$0x4];
	_ =	strace $0x80000056  }
0xa: {  	s6 =	ssub.s32 $0x2, s6;
	s8 =	simm.s32 $0x0;
	s9 =	simm.s32 $0x1  }
0xb: {  	s10 =	simm.s32 $0x4E80;
	s11 =	simm.s32 $0xEB80;
	s7 =	sshrl.u32 s6, $0x1  }
0xc: {  	s12 =	simm.s32 $0x9D00;
	s13 =	simm.s32 $0x13A00;
	s7 =	ssub.s32 s6, s7  }
0xd: {  	v0 =	vimm.s32 $0x0;
	v1 =	vlaneseq.u32;
	s14 =	simm.s32 $0x0;
	s6 =	sadd.s32 $0xA00, s2;
	s7 =	smax.u32 s7, $0x1  }
.LBB2_2:
0xe: {  	[tilespmem:s8], [sflag:$0x1] =	stream.linear.gather [hbm4b:s0+s8], $0x4E80, $0x38;
	[tilespmem:$0x13A80] =	vst v63  }
0xf: {  	_ =	swait.ge [sflag:s9], $0x4E80  }
0x10: {  	[sflag:s9] =	ssyncset.done $0x0  }
0x11: {  	[sflag:s9] =	ssyncadd.s32 $0xFFFFB180  }
0x12: {  	[tilespmem:s10], [sflag:$0x1] =	stream.linear.gather [hbm4b:s2+s8], $0x4E80, $0x38;
	[tilespmem:$0x13A80] =	vst v63  }
0x13: {  	_ =	swait.ge [sflag:s9], $0x4E80  }
0x14: {  	[sflag:s9] =	ssyncset.done $0x0  }
0x15: {  	s15 =	simm.s32 $0x40;
	s16 =	simm.s32 $0x0;
	[sflag:s9] =	ssyncadd.s32 $0xFFFFB180  }
.LBB2_3:
0x16: {  	p0 =	sne.s32 s15, $0x13840;
	[tilespmem:s16+$0xEB80] =	vst v0;
	s16 =	smov.u32 s15;
	s15 =	sadd.s32 $0x40, s15  }
.Ltmp1:
0x17: {  	(pc) =	sbr.rel @p0 .LBB2_3-.Ltmp1, $2  }
0x18: {  	_ =	sdelay $0x2  }
0x19: {  	s16 =	sshra.s32 s16, $0x2  }
0x1a: {  	[tilespmem:s16+$0xEB80] =	vst v0;
	s15 =	simm.s32 $0x0;
	s17 =	simm.s32 $0x0;
	s16 =	simm.s32 $0x40  }
.LBB2_5:
0x1b: {  	p0 =	sne.s32 s16, $0x13840;
	v2 =	vld [tilespmem:s17+$0x4E80];
	_ =	sdelay $0x2  }
0x1c: {  	v3 =	vld [tilespmem:s17+$0x0]  }
.Ltmp2:
0x1d: {  	(pc) =	sbr.rel @p0 .LBB2_5-.Ltmp2, $3  }
0x1e: {  	_ =	sdelay $0x1  }
0x1f: {  	s18 =	simm.s32 $0x9D00  }
0x20: {  	s17 =	sshra.s32 s16, $0x2;
	s16 =	sadd.s32 $0x40, s16;
	[tilespmem:v2+s18+$0x0] =	vst.idx.msk $0xffff, v3  }
0x21: {  	v2 =	vld [tilespmem:s17+$0x4E80];
	_ =	sdelay $0x2  }
0x22: {  	v3 =	vld [tilespmem:s17+$0x0];
	_ =	sdelay $0x4  }
0x23: {  	[tilespmem:v2+s18+$0x0] =	vst.idx.msk $0xffff, v3  }
0x24: {  	v2 =	vld [tilespmem:s18+$0x0];
	_ =	sdelay $0x4  }
0x25: {  	vm0 =	vlt.f32 v2, $0.0e+00;
	vm1 =	vgt.f32 v2, $0.0e+00  }
0x26: {  	vm0 =	vmor vm1, vm0  }
0x27: {  	v2 =	vsel vm0, $0x1, v0  }
0x28: {  	(xrf0) =	vadd.scan.msk.s32 $0xffff, v2;
	_ =	sdelay $0x2  }
0x29: {  	v2 =	vmov s15  }
0x2a: {  	v2 =	vadd.s32 $0xFFFFFFFF, v2  }
0x2b: {  	v2 =	vbroadcast v2, $0x0  }
0x2c: {  	v3, _, _ =	vpop (xrf0)  }
0x2d: {  	v2 =	vadd.s32 v3, v2;
	(v2sf) =	vpush v3, $0xF;
	_ =	sdelay $0x3  }
0x2e: {  	v4 =	vor.u32 s15, v1  }
0x2f: {  	s17 =	simm.s32 $0x9D10;
	[tilespmem:v2+s11+$0x0] =	vst.idx.msk vm0, v4  }
0x30: {  	s16 =	simm.s32 $0x10;
	s18 =	simm.s32 $0x20;
	v2 =	vld [tilespmem:s17+$0x0]  }
.LBB2_7:
0x31: {  	p0 =	sne.s32 s18, $0x4E10;
	_ =	sdelay $0x3  }
0x32: {  	vm0 =	vlt.f32 v2, $0.0e+00;
	vm1 =	vgt.f32 v2, $0.0e+00  }
0x33: {  	vm0 =	vmor vm1, vm0  }
0x34: {  	v2 =	vsel vm0, $0x1, v0  }
0x35: {  	(xrf0) =	vadd.scan.msk.s32 $0xffff, v2  }
0x36: {  	s19 =	spop (v2sf)  }
0x37: {  	s15 =	sadd.s32 s15, s19  }
0x38: {  	v2 =	vmov s15  }
0x39: {  	v2 =	vadd.s32 $0xFFFFFFFF, v2  }
0x3a: {  	v2 =	vbroadcast v2, $0x0  }
0x3b: {  	v3, _, _ =	vpop (xrf0)  }
0x3c: {  	v2 =	vadd.s32 v3, v2;
	(v2sf) =	vpush v3, $0xF;
	_ =	sdelay $0x1  }
.Ltmp3:
0x3d: {  	(pc) =	sbr.rel @p0 .LBB2_7-.Ltmp3, $4  }
0x3e: {  	_ = 	snop  }
0x3f: {  	v3 =	vor.u32 s16, v1;
	s16 =	smov.u32 s18  }
0x40: {  	s17 =	sadd.s32 $0x10, s17;
	[tilespmem:v2+s11+$0x0] =	vst.idx.msk vm0, v3  }
0x41: {  	s18 =	sadd.s32 $0x10, s18;
	v2 =	vld [tilespmem:s17+$0x0]  }
0x42: {  	_ =	sdelay $0x3  }
0x43: {  	vm0 =	vlt.f32 v2, $0.0e+00;
	vm1 =	vgt.f32 v2, $0.0e+00  }
0x44: {  	vm0 =	vmor vm1, vm0  }
0x45: {  	v2 =	vsel vm0, $0x1, v0  }
0x46: {  	(xrf0) =	vadd.scan.msk.s32 $0xffff, v2;
	_ =	sdelay $0x5  }
0x47: {  	v2, _, _ =	vpop (xrf0)  }
0x48: {  	(v2sf) =	vpush v2, $0xF;
	_ =	sdelay $0x5  }
0x49: {  	s17 =	spop (v2sf)  }
0x4a: {  	s15 =	sadd.s32 s15, s17  }
0x4b: {  	v3 =	vmov s15  }
0x4c: {  	v3 =	vadd.s32 $0xFFFFFFFF, v3  }
0x4d: {  	v3 =	vbroadcast v3, $0x0;
	_ =	sdelay $0x1  }
0x4e: {  	v2 =	vadd.s32 v2, v3;
	_ =	sdelay $0x2  }
0x4f: {  	s31 =	spop (v2sf)  }
0x50: {  	v3 =	vor.u32 s16, v1;
	s15 =	sadd.s32 s15, s31  }
0x51: {  	[tilespmem:v2+s11+$0x0] =	vst.idx.msk vm0, v3;
	v2 =	vmov s15  }
0x52: {  	[tilespmem:$0x13A00] =	vst v2  }
0x53: {  	[hbm4b:s6+s8] =	stream.linear.scatter [tilespmem:s12], [sflag:$0x1], $0x4E80, $0x38;
	[tilespmem:$0x13A80] =	vst v63  }
0x54: {  	_ =	swait.ge [sflag:s9], $0x4E80  }
0x55: {  	[sflag:s9] =	ssyncset.done $0x0  }
0x56: {  	[sflag:s9] =	ssyncadd.s32 $0xFFFFB180  }
0x57: {  	[hbm4b:s4+s8] =	stream.linear.scatter [tilespmem:s11], [sflag:$0x1], $0x4E80, $0x38;
	[tilespmem:$0x13A80] =	vst v63  }
0x58: {  	s14 =	sadd.s32 $0x1, s14;
	_ =	swait.ge [sflag:s9], $0x4E80  }
0x59: {  	p0 =	sne.s32 s14, s7;
	[sflag:s9] =	ssyncset.done $0x0  }
.Ltmp4:
0x5a: {  	[sflag:s9] =	ssyncadd.s32 $0xFFFFB180;
	(pc) =	sbr.rel @p0 .LBB2_2-.Ltmp4, $4  }
0x5b: {  	[hbm4b:s5+s8] =	stream.linear.scatter [tilespmem:s13], [sflag:$0x1], $0x80, $0x38;
	[tilespmem:$0x13A80] =	vst v63  }
0x5c: {  	_ =	swait.ge [sflag:s9], $0x80  }
0x5d: {  	[sflag:s9] =	ssyncset.done $0x0  }
0x5e: {  	[sflag:s9] =	ssyncadd.s32 $0xFFFFFF80  }
.LBB2_9:
0x5f: {  	_ =	sfence.sel $0x180000  }
0x60: {  	[bflag:$0x0] =	sbarrier.arrive $0xFFFF  }
0x61: {  	p0 =	sne.s32 s1, $0x0;
	_ =	strace $0x90000056  }
0x62: {  	s0 =	sadd.s32 @!p0 $0x100000, s3;
	[bflag:$0x2] =	sbarrier.arrive $0xFFFF  }
0x63: {  	[sflag:s0] =	ssyncadd.tile.s32 @!p0 $0x1;
	_ =	shalt  }
.Lfunc_end2:
_tile_overlayer_lowered:
.L_overlay_start_2:
0x64: {  	(tag) =	ssettag $0x2  }
0x65: {  	s0 =	rddreg [dreg:$0x0];
	s2 =	stileid.u32  }
0x66: {  	s1 =	rddreg [dreg:$0x1];
	p0 =	sne.s32 s2, $0x0  }
0x67: {  	s3 =	rddreg [dreg:$0x2];
	[bflag:$0x3] =	sbarrier.arrive $0xFFFF;
	s2 =	simm.s32 @!p0 $0x1C01  }
0x68: {  	[timem:s3], [sflag:s2] =	dma.local @!p0 [hbm:s0], s1  }
0x69: {  	s0 =	simm.s32 @!p0 $0x1  }
0x6a: {  	_ =	swait.ge @!p0 [sflag:s0], s1  }
0x6b: {  	s1 =	ssub.s32 @!p0 $0x0, s1;
	[sflag:s0] =	ssyncset.done @!p0 $0x0  }
0x6c: {  	[sflag:s0] =	ssyncadd.s32 @!p0 s1  }
0x6d: {  	[bflag:$0x3] =	sbarrier.arrive $0xFFFF  }
0x6e: {  	_ =	shalt  }

</sc_bundles>
